<compile_context>
chip_gen: v7x
topology: tpu7x:2x2x1
jax: 0.10.2.dev20260603
libtpu: 0.0.44.dev20260713+nightly
codegen_flags: <defaults>
</compile_context>

<pallas_src>
import jax
import jax.numpy as jnp
import numpy as np
from jax import lax
from jax.experimental import pallas as pl
from jax.experimental.pallas import tpu as pltpu
from jax.experimental.pallas import tpu_sc as plsc

N_NODES = 10000
N_GENES = 128
N_EDGES = 320000
GC = 2 * N_GENES

NC = 2
NS = 16
NW = NC * NS
LANES = 16
PER_W = N_EDGES // NW
CHUNK = 80
NCHUNK = PER_W // CHUNK
NGRP = GC // LANES
GW = GC // 2

ROW_BLK = 2000
NBLK = N_NODES // ROW_BLK


def _moments_body(yh_ref, yt_ref, ev_ref, mu_ref, w_ref, acc_ref, wacc_ref):
    i = pl.program_id(0)

    @pl.when(i == 0)
    def _():
        acc_ref[...] = jnp.zeros_like(acc_ref)
        wacc_ref[...] = jnp.zeros_like(wacc_ref)

    acc_ref[:, :N_GENES] += jnp.sum(yh_ref[...], axis=0, keepdims=True)
    acc_ref[:, N_GENES:] += jnp.sum(yt_ref[...], axis=0, keepdims=True)
    wacc_ref[...] += jnp.sum(ev_ref[...])[None, None]

    @pl.when(i == NBLK - 1)
    def _():
        mu_ref[...] = acc_ref[...] / N_NODES
        w_ref[...] = wacc_ref[...]


def _moments(y_hat, y_true, ev2d):
    return pl.pallas_call(
        _moments_body,
        grid=(NBLK,),
        in_specs=[
            pl.BlockSpec((ROW_BLK, N_GENES), lambda i: (i, 0)),
            pl.BlockSpec((ROW_BLK, N_GENES), lambda i: (i, 0)),
            pl.BlockSpec((ROW_BLK, N_EDGES // N_NODES), lambda i: (i, 0)),
        ],
        out_specs=[
            pl.BlockSpec((1, GC), lambda i: (0, 0)),
            pl.BlockSpec((1, 1), lambda i: (0, 0)),
        ],
        out_shape=[
            jax.ShapeDtypeStruct((1, GC), jnp.float32),
            jax.ShapeDtypeStruct((1, 1), jnp.float32),
        ],
        scratch_shapes=[
            pltpu.VMEM((1, GC), jnp.float32),
            pltpu.VMEM((1, 1), jnp.float32),
        ],
    )(y_hat, y_true, ev2d)


def _center_body(yh_ref, yt_ref, mu_ref, c_ref, den_ref, dacc_ref):
    i = pl.program_id(0)

    @pl.when(i == 0)
    def _():
        dacc_ref[...] = jnp.zeros_like(dacc_ref)

    ch = yh_ref[...] - mu_ref[0:1, :N_GENES]
    ct = yt_ref[...] - mu_ref[0:1, N_GENES:]
    c_ref[:, :N_GENES] = ch.astype(jnp.bfloat16)
    c_ref[:, N_GENES:] = ct.astype(jnp.bfloat16)
    dacc_ref[:, :N_GENES] += jnp.sum(ch * ch, axis=0, keepdims=True)
    dacc_ref[:, N_GENES:] += jnp.sum(ct * ct, axis=0, keepdims=True)

    @pl.when(i == NBLK - 1)
    def _():
        den_ref[...] = dacc_ref[...]


def _center(y_hat, y_true, mu):
    return pl.pallas_call(
        _center_body,
        grid=(NBLK,),
        in_specs=[
            pl.BlockSpec((ROW_BLK, N_GENES), lambda i: (i, 0)),
            pl.BlockSpec((ROW_BLK, N_GENES), lambda i: (i, 0)),
            pl.BlockSpec((1, GC), lambda i: (0, 0)),
        ],
        out_specs=[
            pl.BlockSpec((ROW_BLK, GC), lambda i: (i, 0)),
            pl.BlockSpec((1, GC), lambda i: (0, 0)),
        ],
        out_shape=[
            jax.ShapeDtypeStruct((N_NODES, GC), jnp.bfloat16),
            jax.ShapeDtypeStruct((1, GC), jnp.float32),
        ],
        scratch_shapes=[pltpu.VMEM((1, GC), jnp.float32)],
    )(y_hat, y_true, mu)


def _edge_body(c_hbm, src_hbm, dst_hbm, w_hbm, out_hbm,
               srcv, dstv, wall, rs0, rs1, rd0, rd1, accbuf,
               sem0, sem1):
    wid = lax.axis_index("s") * NC + lax.axis_index("c")
    base0 = pl.multiple_of(wid * PER_W, 8)

    pltpu.sync_copy(src_hbm.at[pl.ds(base0, PER_W)], srcv)
    pltpu.sync_copy(dst_hbm.at[pl.ds(base0, PER_W)], dstv)
    pltpu.sync_copy(w_hbm.at[pl.ds(base0, PER_W)], wall)

    bufs = ((rs0, rd0, sem0), (rs1, rd1, sem1))

    def issue(c, b):
        rs, rd, sem = bufs[b]
        off = pl.multiple_of(c * CHUNK, 8)
        pltpu.async_copy(c_hbm.at[srcv.at[pl.ds(off, CHUNK)]], rs, sem)
        pltpu.async_copy(c_hbm.at[dstv.at[pl.ds(off, CHUNK)]], rd, sem)

    def wait(b):
        rs, rd, sem = bufs[b]
        pltpu.make_async_copy(c_hbm.at[srcv.at[pl.ds(0, CHUNK)]], rs, sem).wait()
        pltpu.make_async_copy(c_hbm.at[dstv.at[pl.ds(0, CHUNK)]], rd, sem).wait()

    def compute(c, b, accs):
        rs, rd, _ = bufs[b]

        def one_edge(e, accs):
            wv = plsc.load_gather(
                wall, [jnp.zeros((LANES,), jnp.int32) + (c * CHUNK + e)])
            wpk = plsc.pack(wv, wv, format=plsc.PackFormat.INTERLEAVED)
            new = []
            for j in range(NGRP // 2):
                sv = plsc.bitcast(rs[e, pl.ds(j * LANES, LANES)], jnp.bfloat16)
                dv = plsc.bitcast(rd[e, pl.ds(j * LANES, LANES)], jnp.bfloat16)
                pa, pb = plsc.unpack(
                    sv * dv * wpk, format=plsc.PackFormat.INTERLEAVED)
                new.append(accs[2 * j] + pa)
                new.append(accs[2 * j + 1] + pb)
            return tuple(new)

        def edge_body(h, accs):
            accs = one_edge(2 * h, accs)
            return one_edge(2 * h + 1, accs)

        return lax.fori_loop(0, CHUNK // 2, edge_body, accs)

    issue(0, 0)

    def pair_body(k, accs):
        c0 = 2 * k
        wait(0)
        issue(c0 + 1, 1)
        accs = compute(c0, 0, accs)
        wait(1)
        issue(c0 + 2, 0)
        return compute(c0 + 1, 1, accs)

    accs = tuple(jnp.zeros((LANES,), jnp.float32) for _ in range(NGRP))
    accs = lax.fori_loop(0, NCHUNK // 2, pair_body, accs)
    wait(0)
    accs = compute(NCHUNK - 1, 0, accs)

    for j in range(NGRP):
        accbuf[pl.ds(j * LANES, LANES)] = accs[j]
    pltpu.sync_copy(accbuf, out_hbm.at[wid])


def _edge_partials(c32, src, dst, edge_vals):
    mesh = plsc.VectorSubcoreMesh(
        core_axis_name="c", subcore_axis_name="s",
        num_cores=NC, num_subcores=NS)
    return pl.kernel(
        _edge_body,
        out_type=jax.ShapeDtypeStruct((NW, GC), jnp.float32),
        mesh=mesh,
        compiler_params=pltpu.CompilerParams(needs_layout_passes=False),
        scratch_types=[
            pltpu.VMEM((PER_W,), jnp.int32),
            pltpu.VMEM((PER_W,), jnp.int32),
            pltpu.VMEM((PER_W,), jnp.float32),
            pltpu.VMEM((CHUNK, GW), jnp.int32),
            pltpu.VMEM((CHUNK, GW), jnp.int32),
            pltpu.VMEM((CHUNK, GW), jnp.int32),
            pltpu.VMEM((CHUNK, GW), jnp.int32),
            pltpu.VMEM((GC,), jnp.float32),
            pltpu.SemaphoreType.DMA,
            pltpu.SemaphoreType.DMA,
        ],
    )(c32, src, dst, edge_vals)


def _final_body(p_ref, den_ref, w_ref, out_ref):
    num = jnp.sum(p_ref[...], axis=0, keepdims=True)
    den = den_ref[...]
    den = den + jnp.where(den == 0.0, 1e-6, 0.0)
    stats = (N_NODES / w_ref[0, 0]) * num / den
    diff = stats[0:1, :N_GENES] - stats[0:1, N_GENES:]
    out_ref[...] = jnp.mean(diff * diff)[None, None]


def _final(partials, den, w):
    return pl.pallas_call(
        _final_body,
        out_shape=jax.ShapeDtypeStruct((1, 1), jnp.float32),
    )(partials, den, w)


_POS = np.array(
    [32 * (g // 32) + (g % 32) // 2 + 16 * (g % 2) for g in range(GC)],
    dtype=np.int32)


def kernel(Y_hat, Y_true, edge_index, edge_vals):
    ev2d = edge_vals.reshape(N_NODES, N_EDGES // N_NODES)
    mu, w = _moments(Y_hat, Y_true, ev2d)
    c_cat, den = _center(Y_hat, Y_true, mu)
    c32 = lax.bitcast_convert_type(
        c_cat.reshape(N_NODES, GW, 2), jnp.int32)
    partials = _edge_partials(c32, edge_index[0], edge_index[1], edge_vals)
    loss = _final(partials[:, _POS], den, w)
    return loss[0, 0]

# --- scband reference (transcript-rebuilt; emitter-appended) ---
"""Pipeline reference for scband-spa-auto-corr-17076789969098 (READ-ONLY COPY).

The authoritative reference and input builder live on the scoring server;
editing this copy changes nothing except your own understanding.
"""

import jax, jax.numpy as jnp
import numpy as np

N_NODES = 10000
N_EDGES = 320000
N_GENES = 128


def setup_inputs(seed: int = 0) -> dict:
    key = jax.random.key(seed)
    k1, k2, k3 = jax.random.split(key, 3)
    Y_hat = jax.random.normal(k1, (N_NODES, N_GENES), dtype=jnp.float32)
    Y_true = jax.random.normal(k2, (N_NODES, N_GENES), dtype=jnp.float32)
    edge_index = jax.random.randint(k3, (2, N_EDGES), 0, N_NODES, dtype=jnp.int32)
    edge_vals = jnp.ones((N_EDGES,), dtype=jnp.float32)
    return {"Y_hat": Y_hat, "Y_true": Y_true, "edge_index": edge_index, "edge_vals": edge_vals}


def _spa_stats_moransI(Y, edge_index, edge_vals):
    # Y: [N, G]  (nodes x genes). Torch code does gene_expr = Y.t() -> [G, N]
    gene_expr = Y.T
    N = gene_expr.shape[1]
    W = jnp.sum(edge_vals)
    centered = gene_expr - jnp.mean(gene_expr, axis=1, keepdims=True)  # [G, N]
    denominator = jnp.sum(jnp.square(centered), axis=1)  # [G]
    denominator = denominator + jnp.where(denominator == 0, 1e-06, 0.0)
    # sparse.mm(spa_adj, centered.T): A[src, dst] * X[dst] scatter-added to src
    src = edge_index[0]
    dst = edge_index[1]
    X = centered.T  # [N, G]
    AX = jax.ops.segment_sum(edge_vals[:, None] * jnp.take(X, dst, axis=0), src, num_segments=N)  # [N, G]
    numerator = jnp.sum(centered * AX.T, axis=1)  # [G]
    return N / W * numerator / denominator


def reference(Y_hat, Y_true, edge_index, edge_vals):
    # __init__ computes truth_stats from Y (no_grad); loss(Y_hat) = MSE(pred_stats, truth_stats)
    truth_stats = jax.lax.stop_gradient(_spa_stats_moransI(Y_true, edge_index, edge_vals))
    pred_stats = _spa_stats_moransI(Y_hat, edge_index, edge_vals)
    return jnp.mean(jnp.square(pred_stats - truth_stats))

if __name__ == "__main__":
    import jax
    _d = setup_inputs()
    print(jax.jit(kernel)(*tuple(_d.values())))

</pallas_src>

<mosaic_0001>
#map = affine_map<(d0, d1) -> (0, 0)>
#map1 = affine_map<(d0, d1) -> (0)>
module attributes {stable_mosaic.version = 14 : i64} {
  func.func @_edge_body(%arg0: i32, %arg1: i32, %arg2: memref<10000x128xi32, #tpu.memory_space<hbm>>, %arg3: memref<320000xi32, #tpu.memory_space<hbm>>, %arg4: memref<320000xi32, #tpu.memory_space<hbm>>, %arg5: memref<320000xf32, #tpu.memory_space<hbm>>, %arg6: memref<32x256xf32, #tpu.memory_space<hbm>>, %arg7: memref<10000xi32, #tpu.memory_space<vmem>>, %arg8: memref<10000xi32, #tpu.memory_space<vmem>>, %arg9: memref<10000xf32, #tpu.memory_space<vmem>>, %arg10: memref<80x128xi32, #tpu.memory_space<vmem>>, %arg11: memref<80x128xi32, #tpu.memory_space<vmem>>, %arg12: memref<80x128xi32, #tpu.memory_space<vmem>>, %arg13: memref<80x128xi32, #tpu.memory_space<vmem>>, %arg14: memref<256xf32, #tpu.memory_space<vmem>>, %arg15: memref<!tpu.dma_semaphore, #tpu.memory_space<semaphore_mem>>, %arg16: memref<!tpu.dma_semaphore, #tpu.memory_space<semaphore_mem>>) attributes {dimension_semantics = [#tpu.dimension_semantics<core_parallel>, #tpu.dimension_semantics<subcore_parallel>], iteration_bounds = array<i64: 2, 16>, scalar_prefetch = 0 : i64, scratch_operands = 10 : i64, tpu.core_type = #tpu.core_type<sc_vector_subcore>, window_params = [{transform_indices = #map}, {transform_indices = #map1}, {transform_indices = #map1}, {transform_indices = #map1}, {transform_indices = #map}]} {
    %mul3A = arith.constant 2 : i32
    %mul3A_0 = arith.muli %arg1, %mul3A : i32
    %add3A = arith.addi %mul3A_0, %arg0 : i32
    %mul3A_1 = arith.constant 10000 : i32
    %mul3A_2 = arith.muli %add3A, %mul3A_1 : i32
    %multiple_of3A = tpu.assume_multiple %mul3A_2, 8 : i32
    "tpu.region"() ({
      %run_scoped3A = tpu.sem_alloc : memref<!tpu.dma_semaphore, #tpu.memory_space<semaphore_mem>>
      %dma_start3A_94 = tpu.memref_slice %arg3[%multiple_of3A] : memref<320000xi32, #tpu.memory_space<hbm>> -> memref<10000xi32, #tpu.memory_space<hbm>>
      %dma_start3A_95 = tpu.memref_slice %arg3[%multiple_of3A] : memref<320000xi32, #tpu.memory_space<hbm>> -> memref<10000xi32, #tpu.memory_space<hbm>>
      tpu.enqueue_dma source(%dma_start3A_95 : memref<10000xi32, #tpu.memory_space<hbm>>) target(%arg7 : memref<10000xi32, #tpu.memory_space<vmem>>) target_semaphore(%run_scoped3A : memref<!tpu.dma_semaphore, #tpu.memory_space<semaphore_mem>>)
      %dma_wait3A_96 = tpu.memref_slice %arg3[%multiple_of3A] : memref<320000xi32, #tpu.memory_space<hbm>> -> memref<10000xi32, #tpu.memory_space<hbm>>
      %dma_wait3A_97 = tpu.memref_slice %arg3[%multiple_of3A] : memref<320000xi32, #tpu.memory_space<hbm>> -> memref<10000xi32, #tpu.memory_space<hbm>>
      tpu.wait_dma2 semaphore(%run_scoped3A : memref<!tpu.dma_semaphore, #tpu.memory_space<semaphore_mem>>) src(%dma_wait3A_97 : memref<10000xi32, #tpu.memory_space<hbm>>) dst(%arg7 : memref<10000xi32, #tpu.memory_space<vmem>>)
      tpu.yield
    }) : () -> ()
    "tpu.region"() ({
      %run_scoped3A = tpu.sem_alloc : memref<!tpu.dma_semaphore, #tpu.memory_space<semaphore_mem>>
      %dma_start3A_94 = tpu.memref_slice %arg4[%multiple_of3A] : memref<320000xi32, #tpu.memory_space<hbm>> -> memref<10000xi32, #tpu.memory_space<hbm>>
      %dma_start3A_95 = tpu.memref_slice %arg4[%multiple_of3A] : memref<320000xi32, #tpu.memory_space<hbm>> -> memref<10000xi32, #tpu.memory_space<hbm>>
      tpu.enqueue_dma source(%dma_start3A_95 : memref<10000xi32, #tpu.memory_space<hbm>>) target(%arg8 : memref<10000xi32, #tpu.memory_space<vmem>>) target_semaphore(%run_scoped3A : memref<!tpu.dma_semaphore, #tpu.memory_space<semaphore_mem>>)
      %dma_wait3A_96 = tpu.memref_slice %arg4[%multiple_of3A] : memref<320000xi32, #tpu.memory_space<hbm>> -> memref<10000xi32, #tpu.memory_space<hbm>>
      %dma_wait3A_97 = tpu.memref_slice %arg4[%multiple_of3A] : memref<320000xi32, #tpu.memory_space<hbm>> -> memref<10000xi32, #tpu.memory_space<hbm>>
      tpu.wait_dma2 semaphore(%run_scoped3A : memref<!tpu.dma_semaphore, #tpu.memory_space<semaphore_mem>>) src(%dma_wait3A_97 : memref<10000xi32, #tpu.memory_space<hbm>>) dst(%arg8 : memref<10000xi32, #tpu.memory_space<vmem>>)
      tpu.yield
    }) : () -> ()
    "tpu.region"() ({
      %run_scoped3A = tpu.sem_alloc : memref<!tpu.dma_semaphore, #tpu.memory_space<semaphore_mem>>
      %dma_start3A_94 = tpu.memref_slice %arg5[%multiple_of3A] : memref<320000xf32, #tpu.memory_space<hbm>> -> memref<10000xf32, #tpu.memory_space<hbm>>
      %dma_start3A_95 = tpu.memref_slice %arg5[%multiple_of3A] : memref<320000xf32, #tpu.memory_space<hbm>> -> memref<10000xf32, #tpu.memory_space<hbm>>
      tpu.enqueue_dma source(%dma_start3A_95 : memref<10000xf32, #tpu.memory_space<hbm>>) target(%arg9 : memref<10000xf32, #tpu.memory_space<vmem>>) target_semaphore(%run_scoped3A : memref<!tpu.dma_semaphore, #tpu.memory_space<semaphore_mem>>)
      %dma_wait3A_96 = tpu.memref_slice %arg5[%multiple_of3A] : memref<320000xf32, #tpu.memory_space<hbm>> -> memref<10000xf32, #tpu.memory_space<hbm>>
      %dma_wait3A_97 = tpu.memref_slice %arg5[%multiple_of3A] : memref<320000xf32, #tpu.memory_space<hbm>> -> memref<10000xf32, #tpu.memory_space<hbm>>
      tpu.wait_dma2 semaphore(%run_scoped3A : memref<!tpu.dma_semaphore, #tpu.memory_space<semaphore_mem>>) src(%dma_wait3A_97 : memref<10000xf32, #tpu.memory_space<hbm>>) dst(%arg9 : memref<10000xf32, #tpu.memory_space<vmem>>)
      tpu.yield
    }) : () -> ()
    %multiple_of3A_3 = arith.constant 0 : i32
    %multiple_of3A_4 = tpu.assume_multiple %multiple_of3A_3, 8 : i32
    %dma_start3A = tpu.memref_slice %arg7[%multiple_of3A_4] : memref<10000xi32, #tpu.memory_space<vmem>> -> memref<80xi32, #tpu.memory_space<vmem>>
    %dma_start3A_5 = arith.constant 0 : i32
    %dma_start3A_6 = arith.constant 0 : i32
    %dma_start3A_7 = tpu.memref_slice %arg2[%dma_start3A_5, %dma_start3A_6] : memref<10000x128xi32, #tpu.memory_space<hbm>> -> memref<10000x128xi32, #tpu.memory_space<hbm>>
    tpu.enqueue_indirect_dma source(%dma_start3A_7 : memref<10000x128xi32, #tpu.memory_space<hbm>>) target(%arg10 : memref<80x128xi32, #tpu.memory_space<vmem>>) offsets(%dma_start3A : memref<80xi32, #tpu.memory_space<vmem>>) semaphore(%arg15 : memref<!tpu.dma_semaphore, #tpu.memory_space<semaphore_mem>>)
    %dma_start3A_8 = tpu.memref_slice %arg8[%multiple_of3A_4] : memref<10000xi32, #tpu.memory_space<vmem>> -> memref<80xi32, #tpu.memory_space<vmem>>
    %dma_start3A_9 = arith.constant 0 : i32
    %dma_start3A_10 = arith.constant 0 : i32
    %dma_start3A_11 = tpu.memref_slice %arg2[%dma_start3A_9, %dma_start3A_10] : memref<10000x128xi32, #tpu.memory_space<hbm>> -> memref<10000x128xi32, #tpu.memory_space<hbm>>
    tpu.enqueue_indirect_dma source(%dma_start3A_11 : memref<10000x128xi32, #tpu.memory_space<hbm>>) target(%arg12 : memref<80x128xi32, #tpu.memory_space<vmem>>) offsets(%dma_start3A_8 : memref<80xi32, #tpu.memory_space<vmem>>) semaphore(%arg15 : memref<!tpu.dma_semaphore, #tpu.memory_space<semaphore_mem>>)
    %broadcast_in_dim3A = arith.constant 0.000000e+00 : f32
    %broadcast_in_dim3A_12 = vector.broadcast %broadcast_in_dim3A : f32 to vector<16xf32>
    %broadcast_in_dim3A_13 = arith.constant 0.000000e+00 : f32
    %broadcast_in_dim3A_14 = vector.broadcast %broadcast_in_dim3A_13 : f32 to vector<16xf32>
    %broadcast_in_dim3A_15 = arith.constant 0.000000e+00 : f32
    %broadcast_in_dim3A_16 = vector.broadcast %broadcast_in_dim3A_15 : f32 to vector<16xf32>
    %broadcast_in_dim3A_17 = arith.constant 0.000000e+00 : f32
    %broadcast_in_dim3A_18 = vector.broadcast %broadcast_in_dim3A_17 : f32 to vector<16xf32>
    %broadcast_in_dim3A_19 = arith.constant 0.000000e+00 : f32
    %broadcast_in_dim3A_20 = vector.broadcast %broadcast_in_dim3A_19 : f32 to vector<16xf32>
    %broadcast_in_dim3A_21 = arith.constant 0.000000e+00 : f32
    %broadcast_in_dim3A_22 = vector.broadcast %broadcast_in_dim3A_21 : f32 to vector<16xf32>
    %broadcast_in_dim3A_23 = arith.constant 0.000000e+00 : f32
    %broadcast_in_dim3A_24 = vector.broadcast %broadcast_in_dim3A_23 : f32 to vector<16xf32>
    %broadcast_in_dim3A_25 = arith.constant 0.000000e+00 : f32
    %broadcast_in_dim3A_26 = vector.broadcast %broadcast_in_dim3A_25 : f32 to vector<16xf32>
    %broadcast_in_dim3A_27 = arith.constant 0.000000e+00 : f32
    %broadcast_in_dim3A_28 = vector.broadcast %broadcast_in_dim3A_27 : f32 to vector<16xf32>
    %broadcast_in_dim3A_29 = arith.constant 0.000000e+00 : f32
    %broadcast_in_dim3A_30 = vector.broadcast %broadcast_in_dim3A_29 : f32 to vector<16xf32>
    %broadcast_in_dim3A_31 = arith.constant 0.000000e+00 : f32
    %broadcast_in_dim3A_32 = vector.broadcast %broadcast_in_dim3A_31 : f32 to vector<16xf32>
    %broadcast_in_dim3A_33 = arith.constant 0.000000e+00 : f32
    %broadcast_in_dim3A_34 = vector.broadcast %broadcast_in_dim3A_33 : f32 to vector<16xf32>
    %broadcast_in_dim3A_35 = arith.constant 0.000000e+00 : f32
    %broadcast_in_dim3A_36 = vector.broadcast %broadcast_in_dim3A_35 : f32 to vector<16xf32>
    %broadcast_in_dim3A_37 = arith.constant 0.000000e+00 : f32
    %broadcast_in_dim3A_38 = vector.broadcast %broadcast_in_dim3A_37 : f32 to vector<16xf32>
    %broadcast_in_dim3A_39 = arith.constant 0.000000e+00 : f32
    %broadcast_in_dim3A_40 = vector.broadcast %broadcast_in_dim3A_39 : f32 to vector<16xf32>
    %broadcast_in_dim3A_41 = arith.constant 0.000000e+00 : f32
    %broadcast_in_dim3A_42 = vector.broadcast %broadcast_in_dim3A_41 : f32 to vector<16xf32>
    %scan3A = arith.constant 0 : i32
    %scan3A_43 = arith.constant 62 : i32
    %scan3A_44 = arith.addi %scan3A, %scan3A_43 : i32
    %scan3A_45 = arith.constant 1 : i32
    %scan3A_46:16 = scf.for %scan3A_94 = %scan3A to %scan3A_44 step %scan3A_45 iter_args(%scan3A_95 = %broadcast_in_dim3A_12, %scan3A_96 = %broadcast_in_dim3A_14, %scan3A_97 = %broadcast_in_dim3A_16, %scan3A_98 = %broadcast_in_dim3A_18, %scan3A_99 = %broadcast_in_dim3A_20, %scan3A_100 = %broadcast_in_dim3A_22, %scan3A_101 = %broadcast_in_dim3A_24, %scan3A_102 = %broadcast_in_dim3A_26, %scan3A_103 = %broadcast_in_dim3A_28, %scan3A_104 = %broadcast_in_dim3A_30, %scan3A_105 = %broadcast_in_dim3A_32, %scan3A_106 = %broadcast_in_dim3A_34, %scan3A_107 = %broadcast_in_dim3A_36, %scan3A_108 = %broadcast_in_dim3A_38, %scan3A_109 = %broadcast_in_dim3A_40, %scan3A_110 = %broadcast_in_dim3A_42) -> (vector<16xf32>, vector<16xf32>, vector<16xf32>, vector<16xf32>, vector<16xf32>, vector<16xf32>, vector<16xf32>, vector<16xf32>, vector<16xf32>, vector<16xf32>, vector<16xf32>, vector<16xf32>, vector<16xf32>, vector<16xf32>, vector<16xf32>, vector<16xf32>)  : i32 {
      %mul3A_111 = arith.constant 2 : i32
      %mul3A_112 = arith.muli %mul3A_111, %scan3A_94 : i32
      %dma_wait3A_113 = arith.constant 0 : i32
      %dma_wait3A_114 = tpu.memref_slice %arg7[%dma_wait3A_113] : memref<10000xi32, #tpu.memory_space<vmem>> -> memref<80xi32, #tpu.memory_space<vmem>>
      %dma_wait3A_115 = arith.constant 0 : i32
      %dma_wait3A_116 = arith.constant 0 : i32
      %dma_wait3A_117 = tpu.memref_slice %arg2[%dma_wait3A_115, %dma_wait3A_116] : memref<10000x128xi32, #tpu.memory_space<hbm>> -> memref<10000x128xi32, #tpu.memory_space<hbm>>
      tpu.wait_indirect_dma semaphore(%arg15 : memref<!tpu.dma_semaphore, #tpu.memory_space<semaphore_mem>>) src(%dma_wait3A_117 : memref<10000x128xi32, #tpu.memory_space<hbm>>) dst(%arg10 : memref<80x128xi32, #tpu.memory_space<vmem>>)
      %dma_wait3A_118 = arith.constant 0 : i32
      %dma_wait3A_119 = tpu.memref_slice %arg8[%dma_wait3A_118] : memref<10000xi32, #tpu.memory_space<vmem>> -> memref<80xi32, #tpu.memory_space<vmem>>
      %dma_wait3A_120 = arith.constant 0 : i32
      %dma_wait3A_121 = arith.constant 0 : i32
      %dma_wait3A_122 = tpu.memref_slice %arg2[%dma_wait3A_120, %dma_wait3A_121] : memref<10000x128xi32, #tpu.memory_space<hbm>> -> memref<10000x128xi32, #tpu.memory_space<hbm>>
      tpu.wait_indirect_dma semaphore(%arg15 : memref<!tpu.dma_semaphore, #tpu.memory_space<semaphore_mem>>) src(%dma_wait3A_122 : memref<10000x128xi32, #tpu.memory_space<hbm>>) dst(%arg12 : memref<80x128xi32, #tpu.memory_space<vmem>>)
      %add3A_123 = arith.constant 1 : i32
      %add3A_124 = arith.addi %mul3A_112, %add3A_123 : i32
      %mul3A_125 = arith.constant 80 : i32
      %mul3A_126 = arith.muli %add3A_124, %mul3A_125 : i32
      %multiple_of3A_127 = tpu.assume_multiple %mul3A_126, 8 : i32
      %dma_start3A_128 = tpu.memref_slice %arg7[%multiple_of3A_127] : memref<10000xi32, #tpu.memory_space<vmem>> -> memref<80xi32, #tpu.memory_space<vmem>>
      %dma_start3A_129 = arith.constant 0 : i32
      %dma_start3A_130 = arith.constant 0 : i32
      %dma_start3A_131 = tpu.memref_slice %arg2[%dma_start3A_129, %dma_start3A_130] : memref<10000x128xi32, #tpu.memory_space<hbm>> -> memref<10000x128xi32, #tpu.memory_space<hbm>>
      tpu.enqueue_indirect_dma source(%dma_start3A_131 : memref<10000x128xi32, #tpu.memory_space<hbm>>) target(%arg11 : memref<80x128xi32, #tpu.memory_space<vmem>>) offsets(%dma_start3A_128 : memref<80xi32, #tpu.memory_space<vmem>>) semaphore(%arg16 : memref<!tpu.dma_semaphore, #tpu.memory_space<semaphore_mem>>)
      %dma_start3A_132 = tpu.memref_slice %arg8[%multiple_of3A_127] : memref<10000xi32, #tpu.memory_space<vmem>> -> memref<80xi32, #tpu.memory_space<vmem>>
      %dma_start3A_133 = arith.constant 0 : i32
      %dma_start3A_134 = arith.constant 0 : i32
      %dma_start3A_135 = tpu.memref_slice %arg2[%dma_start3A_133, %dma_start3A_134] : memref<10000x128xi32, #tpu.memory_space<hbm>> -> memref<10000x128xi32, #tpu.memory_space<hbm>>
      tpu.enqueue_indirect_dma source(%dma_start3A_135 : memref<10000x128xi32, #tpu.memory_space<hbm>>) target(%arg13 : memref<80x128xi32, #tpu.memory_space<vmem>>) offsets(%dma_start3A_132 : memref<80xi32, #tpu.memory_space<vmem>>) semaphore(%arg16 : memref<!tpu.dma_semaphore, #tpu.memory_space<semaphore_mem>>)
      %scan3A_136 = arith.constant 0 : i32
      %scan3A_137 = arith.constant 40 : i32
      %scan3A_138 = arith.addi %scan3A_136, %scan3A_137 : i32
      %scan3A_139 = arith.constant 1 : i32
      %scan3A_140:16 = scf.for %scan3A_173 = %scan3A_136 to %scan3A_138 step %scan3A_139 iter_args(%scan3A_174 = %scan3A_95, %scan3A_175 = %scan3A_96, %scan3A_176 = %scan3A_97, %scan3A_177 = %scan3A_98, %scan3A_178 = %scan3A_99, %scan3A_179 = %scan3A_100, %scan3A_180 = %scan3A_101, %scan3A_181 = %scan3A_102, %scan3A_182 = %scan3A_103, %scan3A_183 = %scan3A_104, %scan3A_184 = %scan3A_105, %scan3A_185 = %scan3A_106, %scan3A_186 = %scan3A_107, %scan3A_187 = %scan3A_108, %scan3A_188 = %scan3A_109, %scan3A_189 = %scan3A_110) -> (vector<16xf32>, vector<16xf32>, vector<16xf32>, vector<16xf32>, vector<16xf32>, vector<16xf32>, vector<16xf32>, vector<16xf32>, vector<16xf32>, vector<16xf32>, vector<16xf32>, vector<16xf32>, vector<16xf32>, vector<16xf32>, vector<16xf32>, vector<16xf32>)  : i32 {
        %mul3A_190 = arith.constant 2 : i32
        %mul3A_191 = arith.muli %mul3A_190, %scan3A_173 : i32
        %broadcast_in_dim3A_192 = arith.constant 0 : i32
        %broadcast_in_dim3A_193 = vector.broadcast %broadcast_in_dim3A_192 : i32 to vector<16xi32>
        %mul3A_194 = arith.constant 80 : i32
        %mul3A_195 = arith.muli %mul3A_112, %mul3A_194 : i32
        %add3A_196 = arith.addi %mul3A_195, %mul3A_191 : i32
        %add3A_197 = vector.broadcast %add3A_196 : i32 to vector<16xi32>
        %add3A_198 = arith.addi %broadcast_in_dim3A_193, %add3A_197 : vector<16xi32>
        %gather3A = tpu.vector_load_idx %arg9[%add3A_198] : memref<10000xf32, #tpu.memory_space<vmem>>[vector<16xi32>], vector<16xf32>,
        %pack3A = tpu.pack_subelements %gather3A, %gather3A {pack_format = #tpu.pack_format<interleaved>, positions = array<i32: 0, 1>} : vector<16xf32>, vector<16xf32> -> vector<32xbf16>
        %get3A = arith.index_cast %mul3A_191 : i32 to index
        %get3A_199 = arith.constant 0 : index
        %get3A_200 = tpu.vector_load %arg10[%get3A, %get3A_199] {strides = array<i32>} : memref<80x128xi32, #tpu.memory_space<vmem>>, vector<16xi32>,
        %bitcast3A = vector.bitcast %get3A_200 : vector<16xi32> to vector<32xbf16>
        %get3A_201 = arith.index_cast %mul3A_191 : i32 to index
        %get3A_202 = arith.constant 0 : index
        %get3A_203 = tpu.vector_load %arg12[%get3A_201, %get3A_202] {strides = array<i32>} : memref<80x128xi32, #tpu.memory_space<vmem>>, vector<16xi32>,
        %bitcast3A_204 = vector.bitcast %get3A_203 : vector<16xi32> to vector<32xbf16>
        %mul3A_205 = arith.mulf %bitcast3A, %bitcast3A_204 : vector<32xbf16>
        %mul3A_206 = arith.mulf %mul3A_205, %pack3A : vector<32xbf16>
        %unpack3A = tpu.unpack_subelements %mul3A_206, 0 {pack_format = #tpu.pack_format<interleaved>} : vector<32xbf16> -> vector<16xf32>
        %unpack3A_207 = tpu.unpack_subelements %mul3A_206, 1 {pack_format = #tpu.pack_format<interleaved>} : vector<32xbf16> -> vector<16xf32>
        %add3A_208 = arith.addf %scan3A_174, %unpack3A : vector<16xf32>
        %add3A_209 = arith.addf %scan3A_175, %unpack3A_207 : vector<16xf32>
        %get3A_210 = arith.index_cast %mul3A_191 : i32 to index
        %get3A_211 = arith.constant 16 : index
        %get3A_212 = tpu.vector_load %arg10[%get3A_210, %get3A_211] {strides = array<i32>} : memref<80x128xi32, #tpu.memory_space<vmem>>, vector<16xi32>,
        %bitcast3A_213 = vector.bitcast %get3A_212 : vector<16xi32> to vector<32xbf16>
        %get3A_214 = arith.index_cast %mul3A_191 : i32 to index
        %get3A_215 = arith.constant 16 : index
        %get3A_216 = tpu.vector_load %arg12[%get3A_214, %get3A_215] {strides = array<i32>} : memref<80x128xi32, #tpu.memory_space<vmem>>, vector<16xi32>,
        %bitcast3A_217 = vector.bitcast %get3A_216 : vector<16xi32> to vector<32xbf16>
        %mul3A_218 = arith.mulf %bitcast3A_213, %bitcast3A_217 : vector<32xbf16>
        %mul3A_219 = arith.mulf %mul3A_218, %pack3A : vector<32xbf16>
        %unpack3A_220 = tpu.unpack_subelements %mul3A_219, 0 {pack_format = #tpu.pack_format<interleaved>} : vector<32xbf16> -> vector<16xf32>
        %unpack3A_221 = tpu.unpack_subelements %mul3A_219, 1 {pack_format = #tpu.pack_format<interleaved>} : vector<32xbf16> -> vector<16xf32>
        %add3A_222 = arith.addf %scan3A_176, %unpack3A_220 : vector<16xf32>
        %add3A_223 = arith.addf %scan3A_177, %unpack3A_221 : vector<16xf32>
        %get3A_224 = arith.index_cast %mul3A_191 : i32 to index
        %get3A_225 = arith.constant 32 : index
        %get3A_226 = tpu.vector_load %arg10[%get3A_224, %get3A_225] {strides = array<i32>} : memref<80x128xi32, #tpu.memory_space<vmem>>, vector<16xi32>,
        %bitcast3A_227 = vector.bitcast %get3A_226 : vector<16xi32> to vector<32xbf16>
        %get3A_228 = arith.index_cast %mul3A_191 : i32 to index
        %get3A_229 = arith.constant 32 : index
        %get3A_230 = tpu.vector_load %arg12[%get3A_228, %get3A_229] {strides = array<i32>} : memref<80x128xi32, #tpu.memory_space<vmem>>, vector<16xi32>,
        %bitcast3A_231 = vector.bitcast %get3A_230 : vector<16xi32> to vector<32xbf16>
        %mul3A_232 = arith.mulf %bitcast3A_227, %bitcast3A_231 : vector<32xbf16>
        %mul3A_233 = arith.mulf %mul3A_232, %pack3A : vector<32xbf16>
        %unpack3A_234 = tpu.unpack_subelements %mul3A_233, 0 {pack_format = #tpu.pack_format<interleaved>} : vector<32xbf16> -> vector<16xf32>
        %unpack3A_235 = tpu.unpack_subelements %mul3A_233, 1 {pack_format = #tpu.pack_format<interleaved>} : vector<32xbf16> -> vector<16xf32>
        %add3A_236 = arith.addf %scan3A_178, %unpack3A_234 : vector<16xf32>
        %add3A_237 = arith.addf %scan3A_179, %unpack3A_235 : vector<16xf32>
        %get3A_238 = arith.index_cast %mul3A_191 : i32 to index
        %get3A_239 = arith.constant 48 : index
        %get3A_240 = tpu.vector_load %arg10[%get3A_238, %get3A_239] {strides = array<i32>} : memref<80x128xi32, #tpu.memory_space<vmem>>, vector<16xi32>,
        %bitcast3A_241 = vector.bitcast %get3A_240 : vector<16xi32> to vector<32xbf16>
        %get3A_242 = arith.index_cast %mul3A_191 : i32 to index
        %get3A_243 = arith.constant 48 : index
        %get3A_244 = tpu.vector_load %arg12[%get3A_242, %get3A_243] {strides = array<i32>} : memref<80x128xi32, #tpu.memory_space<vmem>>, vector<16xi32>,
        %bitcast3A_245 = vector.bitcast %get3A_244 : vector<16xi32> to vector<32xbf16>
        %mul3A_246 = arith.mulf %bitcast3A_241, %bitcast3A_245 : vector<32xbf16>
        %mul3A_247 = arith.mulf %mul3A_246, %pack3A : vector<32xbf16>
        %unpack3A_248 = tpu.unpack_subelements %mul3A_247, 0 {pack_format = #tpu.pack_format<interleaved>} : vector<32xbf16> -> vector<16xf32>
        %unpack3A_249 = tpu.unpack_subelements %mul3A_247, 1 {pack_format = #tpu.pack_format<interleaved>} : vector<32xbf16> -> vector<16xf32>
        %add3A_250 = arith.addf %scan3A_180, %unpack3A_248 : vector<16xf32>
        %add3A_251 = arith.addf %scan3A_181, %unpack3A_249 : vector<16xf32>
        %get3A_252 = arith.index_cast %mul3A_191 : i32 to index
        %get3A_253 = arith.constant 64 : index
        %get3A_254 = tpu.vector_load %arg10[%get3A_252, %get3A_253] {strides = array<i32>} : memref<80x128xi32, #tpu.memory_space<vmem>>, vector<16xi32>,
        %bitcast3A_255 = vector.bitcast %get3A_254 : vector<16xi32> to vector<32xbf16>
        %get3A_256 = arith.index_cast %mul3A_191 : i32 to index
        %get3A_257 = arith.constant 64 : index
        %get3A_258 = tpu.vector_load %arg12[%get3A_256, %get3A_257] {strides = array<i32>} : memref<80x128xi32, #tpu.memory_space<vmem>>, vector<16xi32>,
        %bitcast3A_259 = vector.bitcast %get3A_258 : vector<16xi32> to vector<32xbf16>
        %mul3A_260 = arith.mulf %bitcast3A_255, %bitcast3A_259 : vector<32xbf16>
        %mul3A_261 = arith.mulf %mul3A_260, %pack3A : vector<32xbf16>
        %unpack3A_262 = tpu.unpack_subelements %mul3A_261, 0 {pack_format = #tpu.pack_format<interleaved>} : vector<32xbf16> -> vector<16xf32>
        %unpack3A_263 = tpu.unpack_subelements %mul3A_261, 1 {pack_format = #tpu.pack_format<interleaved>} : vector<32xbf16> -> vector<16xf32>
        %add3A_264 = arith.addf %scan3A_182, %unpack3A_262 : vector<16xf32>
        %add3A_265 = arith.addf %scan3A_183, %unpack3A_263 : vector<16xf32>
        %get3A_266 = arith.index_cast %mul3A_191 : i32 to index
        %get3A_267 = arith.constant 80 : index
        %get3A_268 = tpu.vector_load %arg10[%get3A_266, %get3A_267] {strides = array<i32>} : memref<80x128xi32, #tpu.memory_space<vmem>>, vector<16xi32>,
        %bitcast3A_269 = vector.bitcast %get3A_268 : vector<16xi32> to vector<32xbf16>
        %get3A_270 = arith.index_cast %mul3A_191 : i32 to index
        %get3A_271 = arith.constant 80 : index
        %get3A_272 = tpu.vector_load %arg12[%get3A_270, %get3A_271] {strides = array<i32>} : memref<80x128xi32, #tpu.memory_space<vmem>>, vector<16xi32>,
        %bitcast3A_273 = vector.bitcast %get3A_272 : vector<16xi32> to vector<32xbf16>
        %mul3A_274 = arith.mulf %bitcast3A_269, %bitcast3A_273 : vector<32xbf16>
        %mul3A_275 = arith.mulf %mul3A_274, %pack3A : vector<32xbf16>
        %unpack3A_276 = tpu.unpack_subelements %mul3A_275, 0 {pack_format = #tpu.pack_format<interleaved>} : vector<32xbf16> -> vector<16xf32>
        %unpack3A_277 = tpu.unpack_subelements %mul3A_275, 1 {pack_format = #tpu.pack_format<interleaved>} : vector<32xbf16> -> vector<16xf32>
        %add3A_278 = arith.addf %scan3A_184, %unpack3A_276 : vector<16xf32>
        %add3A_279 = arith.addf %scan3A_185, %unpack3A_277 : vector<16xf32>
        %get3A_280 = arith.index_cast %mul3A_191 : i32 to index
        %get3A_281 = arith.constant 96 : index
        %get3A_282 = tpu.vector_load %arg10[%get3A_280, %get3A_281] {strides = array<i32>} : memref<80x128xi32, #tpu.memory_space<vmem>>, vector<16xi32>,
        %bitcast3A_283 = vector.bitcast %get3A_282 : vector<16xi32> to vector<32xbf16>
        %get3A_284 = arith.index_cast %mul3A_191 : i32 to index
        %get3A_285 = arith.constant 96 : index
        %get3A_286 = tpu.vector_load %arg12[%get3A_284, %get3A_285] {strides = array<i32>} : memref<80x128xi32, #tpu.memory_space<vmem>>, vector<16xi32>,
        %bitcast3A_287 = vector.bitcast %get3A_286 : vector<16xi32> to vector<32xbf16>
        %mul3A_288 = arith.mulf %bitcast3A_283, %bitcast3A_287 : vector<32xbf16>
        %mul3A_289 = arith.mulf %mul3A_288, %pack3A : vector<32xbf16>
        %unpack3A_290 = tpu.unpack_subelements %mul3A_289, 0 {pack_format = #tpu.pack_format<interleaved>} : vector<32xbf16> -> vector<16xf32>
        %unpack3A_291 = tpu.unpack_subelements %mul3A_289, 1 {pack_format = #tpu.pack_format<interleaved>} : vector<32xbf16> -> vector<16xf32>
        %add3A_292 = arith.addf %scan3A_186, %unpack3A_290 : vector<16xf32>
        %add3A_293 = arith.addf %scan3A_187, %unpack3A_291 : vector<16xf32>
        %get3A_294 = arith.index_cast %mul3A_191 : i32 to index
        %get3A_295 = arith.constant 112 : index
        %get3A_296 = tpu.vector_load %arg10[%get3A_294, %get3A_295] {strides = array<i32>} : memref<80x128xi32, #tpu.memory_space<vmem>>, vector<16xi32>,
        %bitcast3A_297 = vector.bitcast %get3A_296 : vector<16xi32> to vector<32xbf16>
        %get3A_298 = arith.index_cast %mul3A_191 : i32 to index
        %get3A_299 = arith.constant 112 : index
        %get3A_300 = tpu.vector_load %arg12[%get3A_298, %get3A_299] {strides = array<i32>} : memref<80x128xi32, #tpu.memory_space<vmem>>, vector<16xi32>,
        %bitcast3A_301 = vector.bitcast %get3A_300 : vector<16xi32> to vector<32xbf16>
        %mul3A_302 = arith.mulf %bitcast3A_297, %bitcast3A_301 : vector<32xbf16>
        %mul3A_303 = arith.mulf %mul3A_302, %pack3A : vector<32xbf16>
        %unpack3A_304 = tpu.unpack_subelements %mul3A_303, 0 {pack_format = #tpu.pack_format<interleaved>} : vector<32xbf16> -> vector<16xf32>
        %unpack3A_305 = tpu.unpack_subelements %mul3A_303, 1 {pack_format = #tpu.pack_format<interleaved>} : vector<32xbf16> -> vector<16xf32>
        %add3A_306 = arith.addf %scan3A_188, %unpack3A_304 : vector<16xf32>
        %add3A_307 = arith.addf %scan3A_189, %unpack3A_305 : vector<16xf32>
        %mul3A_308 = arith.constant 2 : i32
        %mul3A_309 = arith.muli %mul3A_308, %scan3A_173 : i32
        %add3A_310 = arith.constant 1 : i32
        %add3A_311 = arith.addi %mul3A_309, %add3A_310 : i32
        %broadcast_in_dim3A_312 = arith.constant 0 : i32
        %broadcast_in_dim3A_313 = vector.broadcast %broadcast_in_dim3A_312 : i32 to vector<16xi32>
        %mul3A_314 = arith.constant 80 : i32
        %mul3A_315 = arith.muli %mul3A_112, %mul3A_314 : i32
        %add3A_316 = arith.addi %mul3A_315, %add3A_311 : i32
        %add3A_317 = vector.broadcast %add3A_316 : i32 to vector<16xi32>
        %add3A_318 = arith.addi %broadcast_in_dim3A_313, %add3A_317 : vector<16xi32>
        %gather3A_319 = tpu.vector_load_idx %arg9[%add3A_318] : memref<10000xf32, #tpu.memory_space<vmem>>[vector<16xi32>], vector<16xf32>,
        %pack3A_320 = tpu.pack_subelements %gather3A_319, %gather3A_319 {pack_format = #tpu.pack_format<interleaved>, positions = array<i32: 0, 1>} : vector<16xf32>, vector<16xf32> -> vector<32xbf16>
        %get3A_321 = arith.index_cast %add3A_311 : i32 to index
        %get3A_322 = arith.constant 0 : index
        %get3A_323 = tpu.vector_load %arg10[%get3A_321, %get3A_322] {strides = array<i32>} : memref<80x128xi32, #tpu.memory_space<vmem>>, vector<16xi32>,
        %bitcast3A_324 = vector.bitcast %get3A_323 : vector<16xi32> to vector<32xbf16>
        %get3A_325 = arith.index_cast %add3A_311 : i32 to index
        %get3A_326 = arith.constant 0 : index
        %get3A_327 = tpu.vector_load %arg12[%get3A_325, %get3A_326] {strides = array<i32>} : memref<80x128xi32, #tpu.memory_space<vmem>>, vector<16xi32>,
        %bitcast3A_328 = vector.bitcast %get3A_327 : vector<16xi32> to vector<32xbf16>
        %mul3A_329 = arith.mulf %bitcast3A_324, %bitcast3A_328 : vector<32xbf16>
        %mul3A_330 = arith.mulf %mul3A_329, %pack3A_320 : vector<32xbf16>
        %unpack3A_331 = tpu.unpack_subelements %mul3A_330, 0 {pack_format = #tpu.pack_format<interleaved>} : vector<32xbf16> -> vector<16xf32>
        %unpack3A_332 = tpu.unpack_subelements %mul3A_330, 1 {pack_format = #tpu.pack_format<interleaved>} : vector<32xbf16> -> vector<16xf32>
        %add3A_333 = arith.addf %add3A_208, %unpack3A_331 : vector<16xf32>
        %add3A_334 = arith.addf %add3A_209, %unpack3A_332 : vector<16xf32>
        %get3A_335 = arith.index_cast %add3A_311 : i32 to index
        %get3A_336 = arith.constant 16 : index
        %get3A_337 = tpu.vector_load %arg10[%get3A_335, %get3A_336] {strides = array<i32>} : memref<80x128xi32, #tpu.memory_space<vmem>>, vector<16xi32>,
        %bitcast3A_338 = vector.bitcast %get3A_337 : vector<16xi32> to vector<32xbf16>
        %get3A_339 = arith.index_cast %add3A_311 : i32 to index
        %get3A_340 = arith.constant 16 : index
        %get3A_341 = tpu.vector_load %arg12[%get3A_339, %get3A_340] {strides = array<i32>} : memref<80x128xi32, #tpu.memory_space<vmem>>, vector<16xi32>,
        %bitcast3A_342 = vector.bitcast %get3A_341 : vector<16xi32> to vector<32xbf16>
        %mul3A_343 = arith.mulf %bitcast3A_338, %bitcast3A_342 : vector<32xbf16>
        %mul3A_344 = arith.mulf %mul3A_343, %pack3A_320 : vector<32xbf16>
        %unpack3A_345 = tpu.unpack_subelements %mul3A_344, 0 {pack_format = #tpu.pack_format<interleaved>} : vector<32xbf16> -> vector<16xf32>
        %unpack3A_346 = tpu.unpack_subelements %mul3A_344, 1 {pack_format = #tpu.pack_format<interleaved>} : vector<32xbf16> -> vector<16xf32>
        %add3A_347 = arith.addf %add3A_222, %unpack3A_345 : vector<16xf32>
        %add3A_348 = arith.addf %add3A_223, %unpack3A_346 : vector<16xf32>
        %get3A_349 = arith.index_cast %add3A_311 : i32 to index
        %get3A_350 = arith.constant 32 : index
        %get3A_351 = tpu.vector_load %arg10[%get3A_349, %get3A_350] {strides = array<i32>} : memref<80x128xi32, #tpu.memory_space<vmem>>, vector<16xi32>,
        %bitcast3A_352 = vector.bitcast %get3A_351 : vector<16xi32> to vector<32xbf16>
        %get3A_353 = arith.index_cast %add3A_311 : i32 to index
        %get3A_354 = arith.constant 32 : index
        %get3A_355 = tpu.vector_load %arg12[%get3A_353, %get3A_354] {strides = array<i32>} : memref<80x128xi32, #tpu.memory_space<vmem>>, vector<16xi32>,
        %bitcast3A_356 = vector.bitcast %get3A_355 : vector<16xi32> to vector<32xbf16>
        %mul3A_357 = arith.mulf %bitcast3A_352, %bitcast3A_356 : vector<32xbf16>
        %mul3A_358 = arith.mulf %mul3A_357, %pack3A_320 : vector<32xbf16>
        %unpack3A_359 = tpu.unpack_subelements %mul3A_358, 0 {pack_format = #tpu.pack_format<interleaved>} : vector<32xbf16> -> vector<16xf32>
        %unpack3A_360 = tpu.unpack_subelements %mul3A_358, 1 {pack_format = #tpu.pack_format<interleaved>} : vector<32xbf16> -> vector<16xf32>
        %add3A_361 = arith.addf %add3A_236, %unpack3A_359 : vector<16xf32>
        %add3A_362 = arith.addf %add3A_237, %unpack3A_360 : vector<16xf32>
        %get3A_363 = arith.index_cast %add3A_311 : i32 to index
        %get3A_364 = arith.constant 48 : index
        %get3A_365 = tpu.vector_load %arg10[%get3A_363, %get3A_364] {strides = array<i32>} : memref<80x128xi32, #tpu.memory_space<vmem>>, vector<16xi32>,
        %bitcast3A_366 = vector.bitcast %get3A_365 : vector<16xi32> to vector<32xbf16>
        %get3A_367 = arith.index_cast %add3A_311 : i32 to index
        %get3A_368 = arith.constant 48 : index
        %get3A_369 = tpu.vector_load %arg12[%get3A_367, %get3A_368] {strides = array<i32>} : memref<80x128xi32, #tpu.memory_space<vmem>>, vector<16xi32>,
        %bitcast3A_370 = vector.bitcast %get3A_369 : vector<16xi32> to vector<32xbf16>
        %mul3A_371 = arith.mulf %bitcast3A_366, %bitcast3A_370 : vector<32xbf16>
        %mul3A_372 = arith.mulf %mul3A_371, %pack3A_320 : vector<32xbf16>
        %unpack3A_373 = tpu.unpack_subelements %mul3A_372, 0 {pack_format = #tpu.pack_format<interleaved>} : vector<32xbf16> -> vector<16xf32>
        %unpack3A_374 = tpu.unpack_subelements %mul3A_372, 1 {pack_format = #tpu.pack_format<interleaved>} : vector<32xbf16> -> vector<16xf32>
        %add3A_375 = arith.addf %add3A_250, %unpack3A_373 : vector<16xf32>
        %add3A_376 = arith.addf %add3A_251, %unpack3A_374 : vector<16xf32>
        %get3A_377 = arith.index_cast %add3A_311 : i32 to index
        %get3A_378 = arith.constant 64 : index
        %get3A_379 = tpu.vector_load %arg10[%get3A_377, %get3A_378] {strides = array<i32>} : memref<80x128xi32, #tpu.memory_space<vmem>>, vector<16xi32>,
        %bitcast3A_380 = vector.bitcast %get3A_379 : vector<16xi32> to vector<32xbf16>
        %get3A_381 = arith.index_cast %add3A_311 : i32 to index
        %get3A_382 = arith.constant 64 : index
        %get3A_383 = tpu.vector_load %arg12[%get3A_381, %get3A_382] {strides = array<i32>} : memref<80x128xi32, #tpu.memory_space<vmem>>, vector<16xi32>,
        %bitcast3A_384 = vector.bitcast %get3A_383 : vector<16xi32> to vector<32xbf16>
        %mul3A_385 = arith.mulf %bitcast3A_380, %bitcast3A_384 : vector<32xbf16>
        %mul3A_386 = arith.mulf %mul3A_385, %pack3A_320 : vector<32xbf16>
        %unpack3A_387 = tpu.unpack_subelements %mul3A_386, 0 {pack_format = #tpu.pack_format<interleaved>} : vector<32xbf16> -> vector<16xf32>
        %unpack3A_388 = tpu.unpack_subelements %mul3A_386, 1 {pack_format = #tpu.pack_format<interleaved>} : vector<32xbf16> -> vector<16xf32>
        %add3A_389 = arith.addf %add3A_264, %unpack3A_387 : vector<16xf32>
        %add3A_390 = arith.addf %add3A_265, %unpack3A_388 : vector<16xf32>
        %get3A_391 = arith.index_cast %add3A_311 : i32 to index
        %get3A_392 = arith.constant 80 : index
        %get3A_393 = tpu.vector_load %arg10[%get3A_391, %get3A_392] {strides = array<i32>} : memref<80x128xi32, #tpu.memory_space<vmem>>, vector<16xi32>,
        %bitcast3A_394 = vector.bitcast %get3A_393 : vector<16xi32> to vector<32xbf16>
        %get3A_395 = arith.index_cast %add3A_311 : i32 to index
        %get3A_396 = arith.constant 80 : index
        %get3A_397 = tpu.vector_load %arg12[%get3A_395, %get3A_396] {strides = array<i32>} : memref<80x128xi32, #tpu.memory_space<vmem>>, vector<16xi32>,
        %bitcast3A_398 = vector.bitcast %get3A_397 : vector<16xi32> to vector<32xbf16>
        %mul3A_399 = arith.mulf %bitcast3A_394, %bitcast3A_398 : vector<32xbf16>
        %mul3A_400 = arith.mulf %mul3A_399, %pack3A_320 : vector<32xbf16>
        %unpack3A_401 = tpu.unpack_subelements %mul3A_400, 0 {pack_format = #tpu.pack_format<interleaved>} : vector<32xbf16> -> vector<16xf32>
        %unpack3A_402 = tpu.unpack_subelements %mul3A_400, 1 {pack_format = #tpu.pack_format<interleaved>} : vector<32xbf16> -> vector<16xf32>
        %add3A_403 = arith.addf %add3A_278, %unpack3A_401 : vector<16xf32>
        %add3A_404 = arith.addf %add3A_279, %unpack3A_402 : vector<16xf32>
        %get3A_405 = arith.index_cast %add3A_311 : i32 to index
        %get3A_406 = arith.constant 96 : index
        %get3A_407 = tpu.vector_load %arg10[%get3A_405, %get3A_406] {strides = array<i32>} : memref<80x128xi32, #tpu.memory_space<vmem>>, vector<16xi32>,
        %bitcast3A_408 = vector.bitcast %get3A_407 : vector<16xi32> to vector<32xbf16>
        %get3A_409 = arith.index_cast %add3A_311 : i32 to index
        %get3A_410 = arith.constant 96 : index
        %get3A_411 = tpu.vector_load %arg12[%get3A_409, %get3A_410] {strides = array<i32>} : memref<80x128xi32, #tpu.memory_space<vmem>>, vector<16xi32>,
        %bitcast3A_412 = vector.bitcast %get3A_411 : vector<16xi32> to vector<32xbf16>
        %mul3A_413 = arith.mulf %bitcast3A_408, %bitcast3A_412 : vector<32xbf16>
        %mul3A_414 = arith.mulf %mul3A_413, %pack3A_320 : vector<32xbf16>
        %unpack3A_415 = tpu.unpack_subelements %mul3A_414, 0 {pack_format = #tpu.pack_format<interleaved>} : vector<32xbf16> -> vector<16xf32>
        %unpack3A_416 = tpu.unpack_subelements %mul3A_414, 1 {pack_format = #tpu.pack_format<interleaved>} : vector<32xbf16> -> vector<16xf32>
        %add3A_417 = arith.addf %add3A_292, %unpack3A_415 : vector<16xf32>
        %add3A_418 = arith.addf %add3A_293, %unpack3A_416 : vector<16xf32>
        %get3A_419 = arith.index_cast %add3A_311 : i32 to index
        %get3A_420 = arith.constant 112 : index
        %get3A_421 = tpu.vector_load %arg10[%get3A_419, %get3A_420] {strides = array<i32>} : memref<80x128xi32, #tpu.memory_space<vmem>>, vector<16xi32>,
        %bitcast3A_422 = vector.bitcast %get3A_421 : vector<16xi32> to vector<32xbf16>
        %get3A_423 = arith.index_cast %add3A_311 : i32 to index
        %get3A_424 = arith.constant 112 : index
        %get3A_425 = tpu.vector_load %arg12[%get3A_423, %get3A_424] {strides = array<i32>} : memref<80x128xi32, #tpu.memory_space<vmem>>, vector<16xi32>,
        %bitcast3A_426 = vector.bitcast %get3A_425 : vector<16xi32> to vector<32xbf16>
        %mul3A_427 = arith.mulf %bitcast3A_422, %bitcast3A_426 : vector<32xbf16>
        %mul3A_428 = arith.mulf %mul3A_427, %pack3A_320 : vector<32xbf16>
        %unpack3A_429 = tpu.unpack_subelements %mul3A_428, 0 {pack_format = #tpu.pack_format<interleaved>} : vector<32xbf16> -> vector<16xf32>
        %unpack3A_430 = tpu.unpack_subelements %mul3A_428, 1 {pack_format = #tpu.pack_format<interleaved>} : vector<32xbf16> -> vector<16xf32>
        %add3A_431 = arith.addf %add3A_306, %unpack3A_429 : vector<16xf32>
        %add3A_432 = arith.addf %add3A_307, %unpack3A_430 : vector<16xf32>
        scf.yield %add3A_333, %add3A_334, %add3A_347, %add3A_348, %add3A_361, %add3A_362, %add3A_375, %add3A_376, %add3A_389, %add3A_390, %add3A_403, %add3A_404, %add3A_417, %add3A_418, %add3A_431, %add3A_432 : vector<16xf32>, vector<16xf32>, vector<16xf32>, vector<16xf32>, vector<16xf32>, vector<16xf32>, vector<16xf32>, vector<16xf32>, vector<16xf32>, vector<16xf32>, vector<16xf32>, vector<16xf32>, vector<16xf32>, vector<16xf32>, vector<16xf32>, vector<16xf32>
      }
      %scan3A_141 = arith.constant 40 : i32
      %dma_wait3A_142 = arith.constant 0 : i32
      %dma_wait3A_143 = tpu.memref_slice %arg7[%dma_wait3A_142] : memref<10000xi32, #tpu.memory_space<vmem>> -> memref<80xi32, #tpu.memory_space<vmem>>
      %dma_wait3A_144 = arith.constant 0 : i32
      %dma_wait3A_145 = arith.constant 0 : i32
      %dma_wait3A_146 = tpu.memref_slice %arg2[%dma_wait3A_144, %dma_wait3A_145] : memref<10000x128xi32, #tpu.memory_space<hbm>> -> memref<10000x128xi32, #tpu.memory_space<hbm>>
      tpu.wait_indirect_dma semaphore(%arg16 : memref<!tpu.dma_semaphore, #tpu.memory_space<semaphore_mem>>) src(%dma_wait3A_146 : memref<10000x128xi32, #tpu.memory_space<hbm>>) dst(%arg11 : memref<80x128xi32, #tpu.memory_space<vmem>>)
      %dma_wait3A_147 = arith.constant 0 : i32
      %dma_wait3A_148 = tpu.memref_slice %arg8[%dma_wait3A_147] : memref<10000xi32, #tpu.memory_space<vmem>> -> memref<80xi32, #tpu.memory_space<vmem>>
      %dma_wait3A_149 = arith.constant 0 : i32
      %dma_wait3A_150 = arith.constant 0 : i32
      %dma_wait3A_151 = tpu.memref_slice %arg2[%dma_wait3A_149, %dma_wait3A_150] : memref<10000x128xi32, #tpu.memory_space<hbm>> -> memref<10000x128xi32, #tpu.memory_space<hbm>>
      tpu.wait_indirect_dma semaphore(%arg16 : memref<!tpu.dma_semaphore, #tpu.memory_space<semaphore_mem>>) src(%dma_wait3A_151 : memref<10000x128xi32, #tpu.memory_space<hbm>>) dst(%arg13 : memref<80x128xi32, #tpu.memory_space<vmem>>)
      %add3A_152 = arith.constant 2 : i32
      %add3A_153 = arith.addi %mul3A_112, %add3A_152 : i32
      %mul3A_154 = arith.constant 80 : i32
      %mul3A_155 = arith.muli %add3A_153, %mul3A_154 : i32
      %multiple_of3A_156 = tpu.assume_multiple %mul3A_155, 8 : i32
      %dma_start3A_157 = tpu.memref_slice %arg7[%multiple_of3A_156] : memref<10000xi32, #tpu.memory_space<vmem>> -> memref<80xi32, #tpu.memory_space<vmem>>
      %dma_start3A_158 = arith.constant 0 : i32
      %dma_start3A_159 = arith.constant 0 : i32
      %dma_start3A_160 = tpu.memref_slice %arg2[%dma_start3A_158, %dma_start3A_159] : memref<10000x128xi32, #tpu.memory_space<hbm>> -> memref<10000x128xi32, #tpu.memory_space<hbm>>
      tpu.enqueue_indirect_dma source(%dma_start3A_160 : memref<10000x128xi32, #tpu.memory_space<hbm>>) target(%arg10 : memref<80x128xi32, #tpu.memory_space<vmem>>) offsets(%dma_start3A_157 : memref<80xi32, #tpu.memory_space<vmem>>) semaphore(%arg15 : memref<!tpu.dma_semaphore, #tpu.memory_space<semaphore_mem>>)
      %dma_start3A_161 = tpu.memref_slice %arg8[%multiple_of3A_156] : memref<10000xi32, #tpu.memory_space<vmem>> -> memref<80xi32, #tpu.memory_space<vmem>>
      %dma_start3A_162 = arith.constant 0 : i32
      %dma_start3A_163 = arith.constant 0 : i32
      %dma_start3A_164 = tpu.memref_slice %arg2[%dma_start3A_162, %dma_start3A_163] : memref<10000x128xi32, #tpu.memory_space<hbm>> -> memref<10000x128xi32, #tpu.memory_space<hbm>>
      tpu.enqueue_indirect_dma source(%dma_start3A_164 : memref<10000x128xi32, #tpu.memory_space<hbm>>) target(%arg12 : memref<80x128xi32, #tpu.memory_space<vmem>>) offsets(%dma_start3A_161 : memref<80xi32, #tpu.memory_space<vmem>>) semaphore(%arg15 : memref<!tpu.dma_semaphore, #tpu.memory_space<semaphore_mem>>)
      %add3A_165 = arith.constant 1 : i32
      %add3A_166 = arith.addi %mul3A_112, %add3A_165 : i32
      %scan3A_167 = arith.constant 0 : i32
      %scan3A_168 = arith.constant 40 : i32
      %scan3A_169 = arith.addi %scan3A_167, %scan3A_168 : i32
      %scan3A_170 = arith.constant 1 : i32
      %scan3A_171:16 = scf.for %scan3A_173 = %scan3A_167 to %scan3A_169 step %scan3A_170 iter_args(%scan3A_174 = %scan3A_140#0, %scan3A_175 = %scan3A_140#1, %scan3A_176 = %scan3A_140#2, %scan3A_177 = %scan3A_140#3, %scan3A_178 = %scan3A_140#4, %scan3A_179 = %scan3A_140#5, %scan3A_180 = %scan3A_140#6, %scan3A_181 = %scan3A_140#7, %scan3A_182 = %scan3A_140#8, %scan3A_183 = %scan3A_140#9, %scan3A_184 = %scan3A_140#10, %scan3A_185 = %scan3A_140#11, %scan3A_186 = %scan3A_140#12, %scan3A_187 = %scan3A_140#13, %scan3A_188 = %scan3A_140#14, %scan3A_189 = %scan3A_140#15) -> (vector<16xf32>, vector<16xf32>, vector<16xf32>, vector<16xf32>, vector<16xf32>, vector<16xf32>, vector<16xf32>, vector<16xf32>, vector<16xf32>, vector<16xf32>, vector<16xf32>, vector<16xf32>, vector<16xf32>, vector<16xf32>, vector<16xf32>, vector<16xf32>)  : i32 {
        %mul3A_190 = arith.constant 2 : i32
        %mul3A_191 = arith.muli %mul3A_190, %scan3A_173 : i32
        %broadcast_in_dim3A_192 = arith.constant 0 : i32
        %broadcast_in_dim3A_193 = vector.broadcast %broadcast_in_dim3A_192 : i32 to vector<16xi32>
        %mul3A_194 = arith.constant 80 : i32
        %mul3A_195 = arith.muli %add3A_166, %mul3A_194 : i32
        %add3A_196 = arith.addi %mul3A_195, %mul3A_191 : i32
        %add3A_197 = vector.broadcast %add3A_196 : i32 to vector<16xi32>
        %add3A_198 = arith.addi %broadcast_in_dim3A_193, %add3A_197 : vector<16xi32>
        %gather3A = tpu.vector_load_idx %arg9[%add3A_198] : memref<10000xf32, #tpu.memory_space<vmem>>[vector<16xi32>], vector<16xf32>,
        %pack3A = tpu.pack_subelements %gather3A, %gather3A {pack_format = #tpu.pack_format<interleaved>, positions = array<i32: 0, 1>} : vector<16xf32>, vector<16xf32> -> vector<32xbf16>
        %get3A = arith.index_cast %mul3A_191 : i32 to index
        %get3A_199 = arith.constant 0 : index
        %get3A_200 = tpu.vector_load %arg11[%get3A, %get3A_199] {strides = array<i32>} : memref<80x128xi32, #tpu.memory_space<vmem>>, vector<16xi32>,
        %bitcast3A = vector.bitcast %get3A_200 : vector<16xi32> to vector<32xbf16>
        %get3A_201 = arith.index_cast %mul3A_191 : i32 to index
        %get3A_202 = arith.constant 0 : index
        %get3A_203 = tpu.vector_load %arg13[%get3A_201, %get3A_202] {strides = array<i32>} : memref<80x128xi32, #tpu.memory_space<vmem>>, vector<16xi32>,
        %bitcast3A_204 = vector.bitcast %get3A_203 : vector<16xi32> to vector<32xbf16>
        %mul3A_205 = arith.mulf %bitcast3A, %bitcast3A_204 : vector<32xbf16>
        %mul3A_206 = arith.mulf %mul3A_205, %pack3A : vector<32xbf16>
        %unpack3A = tpu.unpack_subelements %mul3A_206, 0 {pack_format = #tpu.pack_format<interleaved>} : vector<32xbf16> -> vector<16xf32>
        %unpack3A_207 = tpu.unpack_subelements %mul3A_206, 1 {pack_format = #tpu.pack_format<interleaved>} : vector<32xbf16> -> vector<16xf32>
        %add3A_208 = arith.addf %scan3A_174, %unpack3A : vector<16xf32>
        %add3A_209 = arith.addf %scan3A_175, %unpack3A_207 : vector<16xf32>
        %get3A_210 = arith.index_cast %mul3A_191 : i32 to index
        %get3A_211 = arith.constant 16 : index
        %get3A_212 = tpu.vector_load %arg11[%get3A_210, %get3A_211] {strides = array<i32>} : memref<80x128xi32, #tpu.memory_space<vmem>>, vector<16xi32>,
        %bitcast3A_213 = vector.bitcast %get3A_212 : vector<16xi32> to vector<32xbf16>
        %get3A_214 = arith.index_cast %mul3A_191 : i32 to index
        %get3A_215 = arith.constant 16 : index
        %get3A_216 = tpu.vector_load %arg13[%get3A_214, %get3A_215] {strides = array<i32>} : memref<80x128xi32, #tpu.memory_space<vmem>>, vector<16xi32>,
        %bitcast3A_217 = vector.bitcast %get3A_216 : vector<16xi32> to vector<32xbf16>
        %mul3A_218 = arith.mulf %bitcast3A_213, %bitcast3A_217 : vector<32xbf16>
        %mul3A_219 = arith.mulf %mul3A_218, %pack3A : vector<32xbf16>
        %unpack3A_220 = tpu.unpack_subelements %mul3A_219, 0 {pack_format = #tpu.pack_format<interleaved>} : vector<32xbf16> -> vector<16xf32>
        %unpack3A_221 = tpu.unpack_subelements %mul3A_219, 1 {pack_format = #tpu.pack_format<interleaved>} : vector<32xbf16> -> vector<16xf32>
        %add3A_222 = arith.addf %scan3A_176, %unpack3A_220 : vector<16xf32>
        %add3A_223 = arith.addf %scan3A_177, %unpack3A_221 : vector<16xf32>
        %get3A_224 = arith.index_cast %mul3A_191 : i32 to index
        %get3A_225 = arith.constant 32 : index
        %get3A_226 = tpu.vector_load %arg11[%get3A_224, %get3A_225] {strides = array<i32>} : memref<80x128xi32, #tpu.memory_space<vmem>>, vector<16xi32>,
        %bitcast3A_227 = vector.bitcast %get3A_226 : vector<16xi32> to vector<32xbf16>
        %get3A_228 = arith.index_cast %mul3A_191 : i32 to index
        %get3A_229 = arith.constant 32 : index
        %get3A_230 = tpu.vector_load %arg13[%get3A_228, %get3A_229] {strides = array<i32>} : memref<80x128xi32, #tpu.memory_space<vmem>>, vector<16xi32>,
        %bitcast3A_231 = vector.bitcast %get3A_230 : vector<16xi32> to vector<32xbf16>
        %mul3A_232 = arith.mulf %bitcast3A_227, %bitcast3A_231 : vector<32xbf16>
        %mul3A_233 = arith.mulf %mul3A_232, %pack3A : vector<32xbf16>
        %unpack3A_234 = tpu.unpack_subelements %mul3A_233, 0 {pack_format = #tpu.pack_format<interleaved>} : vector<32xbf16> -> vector<16xf32>
        %unpack3A_235 = tpu.unpack_subelements %mul3A_233, 1 {pack_format = #tpu.pack_format<interleaved>} : vector<32xbf16> -> vector<16xf32>
        %add3A_236 = arith.addf %scan3A_178, %unpack3A_234 : vector<16xf32>
        %add3A_237 = arith.addf %scan3A_179, %unpack3A_235 : vector<16xf32>
        %get3A_238 = arith.index_cast %mul3A_191 : i32 to index
        %get3A_239 = arith.constant 48 : index
        %get3A_240 = tpu.vector_load %arg11[%get3A_238, %get3A_239] {strides = array<i32>} : memref<80x128xi32, #tpu.memory_space<vmem>>, vector<16xi32>,
        %bitcast3A_241 = vector.bitcast %get3A_240 : vector<16xi32> to vector<32xbf16>
        %get3A_242 = arith.index_cast %mul3A_191 : i32 to index
        %get3A_243 = arith.constant 48 : index
        %get3A_244 = tpu.vector_load %arg13[%get3A_242, %get3A_243] {strides = array<i32>} : memref<80x128xi32, #tpu.memory_space<vmem>>, vector<16xi32>,
        %bitcast3A_245 = vector.bitcast %get3A_244 : vector<16xi32> to vector<32xbf16>
        %mul3A_246 = arith.mulf %bitcast3A_241, %bitcast3A_245 : vector<32xbf16>
        %mul3A_247 = arith.mulf %mul3A_246, %pack3A : vector<32xbf16>
        %unpack3A_248 = tpu.unpack_subelements %mul3A_247, 0 {pack_format = #tpu.pack_format<interleaved>} : vector<32xbf16> -> vector<16xf32>
        %unpack3A_249 = tpu.unpack_subelements %mul3A_247, 1 {pack_format = #tpu.pack_format<interleaved>} : vector<32xbf16> -> vector<16xf32>
        %add3A_250 = arith.addf %scan3A_180, %unpack3A_248 : vector<16xf32>
        %add3A_251 = arith.addf %scan3A_181, %unpack3A_249 : vector<16xf32>
        %get3A_252 = arith.index_cast %mul3A_191 : i32 to index
        %get3A_253 = arith.constant 64 : index
        %get3A_254 = tpu.vector_load %arg11[%get3A_252, %get3A_253] {strides = array<i32>} : memref<80x128xi32, #tpu.memory_space<vmem>>, vector<16xi32>,
        %bitcast3A_255 = vector.bitcast %get3A_254 : vector<16xi32> to vector<32xbf16>
        %get3A_256 = arith.index_cast %mul3A_191 : i32 to index
        %get3A_257 = arith.constant 64 : index
        %get3A_258 = tpu.vector_load %arg13[%get3A_256, %get3A_257] {strides = array<i32>} : memref<80x128xi32, #tpu.memory_space<vmem>>, vector<16xi32>,
        %bitcast3A_259 = vector.bitcast %get3A_258 : vector<16xi32> to vector<32xbf16>
        %mul3A_260 = arith.mulf %bitcast3A_255, %bitcast3A_259 : vector<32xbf16>
        %mul3A_261 = arith.mulf %mul3A_260, %pack3A : vector<32xbf16>
        %unpack3A_262 = tpu.unpack_subelements %mul3A_261, 0 {pack_format = #tpu.pack_format<interleaved>} : vector<32xbf16> -> vector<16xf32>
        %unpack3A_263 = tpu.unpack_subelements %mul3A_261, 1 {pack_format = #tpu.pack_format<interleaved>} : vector<32xbf16> -> vector<16xf32>
        %add3A_264 = arith.addf %scan3A_182, %unpack3A_262 : vector<16xf32>
        %add3A_265 = arith.addf %scan3A_183, %unpack3A_263 : vector<16xf32>
        %get3A_266 = arith.index_cast %mul3A_191 : i32 to index
        %get3A_267 = arith.constant 80 : index
        %get3A_268 = tpu.vector_load %arg11[%get3A_266, %get3A_267] {strides = array<i32>} : memref<80x128xi32, #tpu.memory_space<vmem>>, vector<16xi32>,
        %bitcast3A_269 = vector.bitcast %get3A_268 : vector<16xi32> to vector<32xbf16>
        %get3A_270 = arith.index_cast %mul3A_191 : i32 to index
        %get3A_271 = arith.constant 80 : index
        %get3A_272 = tpu.vector_load %arg13[%get3A_270, %get3A_271] {strides = array<i32>} : memref<80x128xi32, #tpu.memory_space<vmem>>, vector<16xi32>,
        %bitcast3A_273 = vector.bitcast %get3A_272 : vector<16xi32> to vector<32xbf16>
        %mul3A_274 = arith.mulf %bitcast3A_269, %bitcast3A_273 : vector<32xbf16>
        %mul3A_275 = arith.mulf %mul3A_274, %pack3A : vector<32xbf16>
        %unpack3A_276 = tpu.unpack_subelements %mul3A_275, 0 {pack_format = #tpu.pack_format<interleaved>} : vector<32xbf16> -> vector<16xf32>
        %unpack3A_277 = tpu.unpack_subelements %mul3A_275, 1 {pack_format = #tpu.pack_format<interleaved>} : vector<32xbf16> -> vector<16xf32>
        %add3A_278 = arith.addf %scan3A_184, %unpack3A_276 : vector<16xf32>
        %add3A_279 = arith.addf %scan3A_185, %unpack3A_277 : vector<16xf32>
        %get3A_280 = arith.index_cast %mul3A_191 : i32 to index
        %get3A_281 = arith.constant 96 : index
        %get3A_282 = tpu.vector_load %arg11[%get3A_280, %get3A_281] {strides = array<i32>} : memref<80x128xi32, #tpu.memory_space<vmem>>, vector<16xi32>,
        %bitcast3A_283 = vector.bitcast %get3A_282 : vector<16xi32> to vector<32xbf16>
        %get3A_284 = arith.index_cast %mul3A_191 : i32 to index
        %get3A_285 = arith.constant 96 : index
        %get3A_286 = tpu.vector_load %arg13[%get3A_284, %get3A_285] {strides = array<i32>} : memref<80x128xi32, #tpu.memory_space<vmem>>, vector<16xi32>,
        %bitcast3A_287 = vector.bitcast %get3A_286 : vector<16xi32> to vector<32xbf16>
        %mul3A_288 = arith.mulf %bitcast3A_283, %bitcast3A_287 : vector<32xbf16>
        %mul3A_289 = arith.mulf %mul3A_288, %pack3A : vector<32xbf16>
        %unpack3A_290 = tpu.unpack_subelements %mul3A_289, 0 {pack_format = #tpu.pack_format<interleaved>} : vector<32xbf16> -> vector<16xf32>
        %unpack3A_291 = tpu.unpack_subelements %mul3A_289, 1 {pack_format = #tpu.pack_format<interleaved>} : vector<32xbf16> -> vector<16xf32>
        %add3A_292 = arith.addf %scan3A_186, %unpack3A_290 : vector<16xf32>
        %add3A_293 = arith.addf %scan3A_187, %unpack3A_291 : vector<16xf32>
        %get3A_294 = arith.index_cast %mul3A_191 : i32 to index
        %get3A_295 = arith.constant 112 : index
        %get3A_296 = tpu.vector_load %arg11[%get3A_294, %get3A_295] {strides = array<i32>} : memref<80x128xi32, #tpu.memory_space<vmem>>, vector<16xi32>,
        %bitcast3A_297 = vector.bitcast %get3A_296 : vector<16xi32> to vector<32xbf16>
        %get3A_298 = arith.index_cast %mul3A_191 : i32 to index
        %get3A_299 = arith.constant 112 : index
        %get3A_300 = tpu.vector_load %arg13[%get3A_298, %get3A_299] {strides = array<i32>} : memref<80x128xi32, #tpu.memory_space<vmem>>, vector<16xi32>,
        %bitcast3A_301 = vector.bitcast %get3A_300 : vector<16xi32> to vector<32xbf16>
        %mul3A_302 = arith.mulf %bitcast3A_297, %bitcast3A_301 : vector<32xbf16>
        %mul3A_303 = arith.mulf %mul3A_302, %pack3A : vector<32xbf16>
        %unpack3A_304 = tpu.unpack_subelements %mul3A_303, 0 {pack_format = #tpu.pack_format<interleaved>} : vector<32xbf16> -> vector<16xf32>
        %unpack3A_305 = tpu.unpack_subelements %mul3A_303, 1 {pack_format = #tpu.pack_format<interleaved>} : vector<32xbf16> -> vector<16xf32>
        %add3A_306 = arith.addf %scan3A_188, %unpack3A_304 : vector<16xf32>
        %add3A_307 = arith.addf %scan3A_189, %unpack3A_305 : vector<16xf32>
        %mul3A_308 = arith.constant 2 : i32
        %mul3A_309 = arith.muli %mul3A_308, %scan3A_173 : i32
        %add3A_310 = arith.constant 1 : i32
        %add3A_311 = arith.addi %mul3A_309, %add3A_310 : i32
        %broadcast_in_dim3A_312 = arith.constant 0 : i32
        %broadcast_in_dim3A_313 = vector.broadcast %broadcast_in_dim3A_312 : i32 to vector<16xi32>
        %mul3A_314 = arith.constant 80 : i32
        %mul3A_315 = arith.muli %add3A_166, %mul3A_314 : i32
        %add3A_316 = arith.addi %mul3A_315, %add3A_311 : i32
        %add3A_317 = vector.broadcast %add3A_316 : i32 to vector<16xi32>
        %add3A_318 = arith.addi %broadcast_in_dim3A_313, %add3A_317 : vector<16xi32>
        %gather3A_319 = tpu.vector_load_idx %arg9[%add3A_318] : memref<10000xf32, #tpu.memory_space<vmem>>[vector<16xi32>], vector<16xf32>,
        %pack3A_320 = tpu.pack_subelements %gather3A_319, %gather3A_319 {pack_format = #tpu.pack_format<interleaved>, positions = array<i32: 0, 1>} : vector<16xf32>, vector<16xf32> -> vector<32xbf16>
        %get3A_321 = arith.index_cast %add3A_311 : i32 to index
        %get3A_322 = arith.constant 0 : index
        %get3A_323 = tpu.vector_load %arg11[%get3A_321, %get3A_322] {strides = array<i32>} : memref<80x128xi32, #tpu.memory_space<vmem>>, vector<16xi32>,
        %bitcast3A_324 = vector.bitcast %get3A_323 : vector<16xi32> to vector<32xbf16>
        %get3A_325 = arith.index_cast %add3A_311 : i32 to index
        %get3A_326 = arith.constant 0 : index
        %get3A_327 = tpu.vector_load %arg13[%get3A_325, %get3A_326] {strides = array<i32>} : memref<80x128xi32, #tpu.memory_space<vmem>>, vector<16xi32>,
        %bitcast3A_328 = vector.bitcast %get3A_327 : vector<16xi32> to vector<32xbf16>
        %mul3A_329 = arith.mulf %bitcast3A_324, %bitcast3A_328 : vector<32xbf16>
        %mul3A_330 = arith.mulf %mul3A_329, %pack3A_320 : vector<32xbf16>
        %unpack3A_331 = tpu.unpack_subelements %mul3A_330, 0 {pack_format = #tpu.pack_format<interleaved>} : vector<32xbf16> -> vector<16xf32>
        %unpack3A_332 = tpu.unpack_subelements %mul3A_330, 1 {pack_format = #tpu.pack_format<interleaved>} : vector<32xbf16> -> vector<16xf32>
        %add3A_333 = arith.addf %add3A_208, %unpack3A_331 : vector<16xf32>
        %add3A_334 = arith.addf %add3A_209, %unpack3A_332 : vector<16xf32>
        %get3A_335 = arith.index_cast %add3A_311 : i32 to index
        %get3A_336 = arith.constant 16 : index
        %get3A_337 = tpu.vector_load %arg11[%get3A_335, %get3A_336] {strides = array<i32>} : memref<80x128xi32, #tpu.memory_space<vmem>>, vector<16xi32>,
        %bitcast3A_338 = vector.bitcast %get3A_337 : vector<16xi32> to vector<32xbf16>
        %get3A_339 = arith.index_cast %add3A_311 : i32 to index
        %get3A_340 = arith.constant 16 : index
        %get3A_341 = tpu.vector_load %arg13[%get3A_339, %get3A_340] {strides = array<i32>} : memref<80x128xi32, #tpu.memory_space<vmem>>, vector<16xi32>,
        %bitcast3A_342 = vector.bitcast %get3A_341 : vector<16xi32> to vector<32xbf16>
        %mul3A_343 = arith.mulf %bitcast3A_338, %bitcast3A_342 : vector<32xbf16>
        %mul3A_344 = arith.mulf %mul3A_343, %pack3A_320 : vector<32xbf16>
        %unpack3A_345 = tpu.unpack_subelements %mul3A_344, 0 {pack_format = #tpu.pack_format<interleaved>} : vector<32xbf16> -> vector<16xf32>
        %unpack3A_346 = tpu.unpack_subelements %mul3A_344, 1 {pack_format = #tpu.pack_format<interleaved>} : vector<32xbf16> -> vector<16xf32>
        %add3A_347 = arith.addf %add3A_222, %unpack3A_345 : vector<16xf32>
        %add3A_348 = arith.addf %add3A_223, %unpack3A_346 : vector<16xf32>
        %get3A_349 = arith.index_cast %add3A_311 : i32 to index
        %get3A_350 = arith.constant 32 : index
        %get3A_351 = tpu.vector_load %arg11[%get3A_349, %get3A_350] {strides = array<i32>} : memref<80x128xi32, #tpu.memory_space<vmem>>, vector<16xi32>,
        %bitcast3A_352 = vector.bitcast %get3A_351 : vector<16xi32> to vector<32xbf16>
        %get3A_353 = arith.index_cast %add3A_311 : i32 to index
        %get3A_354 = arith.constant 32 : index
        %get3A_355 = tpu.vector_load %arg13[%get3A_353, %get3A_354] {strides = array<i32>} : memref<80x128xi32, #tpu.memory_space<vmem>>, vector<16xi32>,
        %bitcast3A_356 = vector.bitcast %get3A_355 : vector<16xi32> to vector<32xbf16>
        %mul3A_357 = arith.mulf %bitcast3A_352, %bitcast3A_356 : vector<32xbf16>
        %mul3A_358 = arith.mulf %mul3A_357, %pack3A_320 : vector<32xbf16>
        %unpack3A_359 = tpu.unpack_subelements %mul3A_358, 0 {pack_format = #tpu.pack_format<interleaved>} : vector<32xbf16> -> vector<16xf32>
        %unpack3A_360 = tpu.unpack_subelements %mul3A_358, 1 {pack_format = #tpu.pack_format<interleaved>} : vector<32xbf16> -> vector<16xf32>
        %add3A_361 = arith.addf %add3A_236, %unpack3A_359 : vector<16xf32>
        %add3A_362 = arith.addf %add3A_237, %unpack3A_360 : vector<16xf32>
        %get3A_363 = arith.index_cast %add3A_311 : i32 to index
        %get3A_364 = arith.constant 48 : index
        %get3A_365 = tpu.vector_load %arg11[%get3A_363, %get3A_364] {strides = array<i32>} : memref<80x128xi32, #tpu.memory_space<vmem>>, vector<16xi32>,
        %bitcast3A_366 = vector.bitcast %get3A_365 : vector<16xi32> to vector<32xbf16>
        %get3A_367 = arith.index_cast %add3A_311 : i32 to index
        %get3A_368 = arith.constant 48 : index
        %get3A_369 = tpu.vector_load %arg13[%get3A_367, %get3A_368] {strides = array<i32>} : memref<80x128xi32, #tpu.memory_space<vmem>>, vector<16xi32>,
        %bitcast3A_370 = vector.bitcast %get3A_369 : vector<16xi32> to vector<32xbf16>
        %mul3A_371 = arith.mulf %bitcast3A_366, %bitcast3A_370 : vector<32xbf16>
        %mul3A_372 = arith.mulf %mul3A_371, %pack3A_320 : vector<32xbf16>
        %unpack3A_373 = tpu.unpack_subelements %mul3A_372, 0 {pack_format = #tpu.pack_format<interleaved>} : vector<32xbf16> -> vector<16xf32>
        %unpack3A_374 = tpu.unpack_subelements %mul3A_372, 1 {pack_format = #tpu.pack_format<interleaved>} : vector<32xbf16> -> vector<16xf32>
        %add3A_375 = arith.addf %add3A_250, %unpack3A_373 : vector<16xf32>
        %add3A_376 = arith.addf %add3A_251, %unpack3A_374 : vector<16xf32>
        %get3A_377 = arith.index_cast %add3A_311 : i32 to index
        %get3A_378 = arith.constant 64 : index
        %get3A_379 = tpu.vector_load %arg11[%get3A_377, %get3A_378] {strides = array<i32>} : memref<80x128xi32, #tpu.memory_space<vmem>>, vector<16xi32>,
        %bitcast3A_380 = vector.bitcast %get3A_379 : vector<16xi32> to vector<32xbf16>
        %get3A_381 = arith.index_cast %add3A_311 : i32 to index
        %get3A_382 = arith.constant 64 : index
        %get3A_383 = tpu.vector_load %arg13[%get3A_381, %get3A_382] {strides = array<i32>} : memref<80x128xi32, #tpu.memory_space<vmem>>, vector<16xi32>,
        %bitcast3A_384 = vector.bitcast %get3A_383 : vector<16xi32> to vector<32xbf16>
        %mul3A_385 = arith.mulf %bitcast3A_380, %bitcast3A_384 : vector<32xbf16>
        %mul3A_386 = arith.mulf %mul3A_385, %pack3A_320 : vector<32xbf16>
        %unpack3A_387 = tpu.unpack_subelements %mul3A_386, 0 {pack_format = #tpu.pack_format<interleaved>} : vector<32xbf16> -> vector<16xf32>
        %unpack3A_388 = tpu.unpack_subelements %mul3A_386, 1 {pack_format = #tpu.pack_format<interleaved>} : vector<32xbf16> -> vector<16xf32>
        %add3A_389 = arith.addf %add3A_264, %unpack3A_387 : vector<16xf32>
        %add3A_390 = arith.addf %add3A_265, %unpack3A_388 : vector<16xf32>
        %get3A_391 = arith.index_cast %add3A_311 : i32 to index
        %get3A_392 = arith.constant 80 : index
        %get3A_393 = tpu.vector_load %arg11[%get3A_391, %get3A_392] {strides = array<i32>} : memref<80x128xi32, #tpu.memory_space<vmem>>, vector<16xi32>,
        %bitcast3A_394 = vector.bitcast %get3A_393 : vector<16xi32> to vector<32xbf16>
        %get3A_395 = arith.index_cast %add3A_311 : i32 to index
        %get3A_396 = arith.constant 80 : index
        %get3A_397 = tpu.vector_load %arg13[%get3A_395, %get3A_396] {strides = array<i32>} : memref<80x128xi32, #tpu.memory_space<vmem>>, vector<16xi32>,
        %bitcast3A_398 = vector.bitcast %get3A_397 : vector<16xi32> to vector<32xbf16>
        %mul3A_399 = arith.mulf %bitcast3A_394, %bitcast3A_398 : vector<32xbf16>
        %mul3A_400 = arith.mulf %mul3A_399, %pack3A_320 : vector<32xbf16>
        %unpack3A_401 = tpu.unpack_subelements %mul3A_400, 0 {pack_format = #tpu.pack_format<interleaved>} : vector<32xbf16> -> vector<16xf32>
        %unpack3A_402 = tpu.unpack_subelements %mul3A_400, 1 {pack_format = #tpu.pack_format<interleaved>} : vector<32xbf16> -> vector<16xf32>
        %add3A_403 = arith.addf %add3A_278, %unpack3A_401 : vector<16xf32>
        %add3A_404 = arith.addf %add3A_279, %unpack3A_402 : vector<16xf32>
        %get3A_405 = arith.index_cast %add3A_311 : i32 to index
        %get3A_406 = arith.constant 96 : index
        %get3A_407 = tpu.vector_load %arg11[%get3A_405, %get3A_406] {strides = array<i32>} : memref<80x128xi32, #tpu.memory_space<vmem>>, vector<16xi32>,
        %bitcast3A_408 = vector.bitcast %get3A_407 : vector<16xi32> to vector<32xbf16>
        %get3A_409 = arith.index_cast %add3A_311 : i32 to index
        %get3A_410 = arith.constant 96 : index
        %get3A_411 = tpu.vector_load %arg13[%get3A_409, %get3A_410] {strides = array<i32>} : memref<80x128xi32, #tpu.memory_space<vmem>>, vector<16xi32>,
        %bitcast3A_412 = vector.bitcast %get3A_411 : vector<16xi32> to vector<32xbf16>
        %mul3A_413 = arith.mulf %bitcast3A_408, %bitcast3A_412 : vector<32xbf16>
        %mul3A_414 = arith.mulf %mul3A_413, %pack3A_320 : vector<32xbf16>
        %unpack3A_415 = tpu.unpack_subelements %mul3A_414, 0 {pack_format = #tpu.pack_format<interleaved>} : vector<32xbf16> -> vector<16xf32>
        %unpack3A_416 = tpu.unpack_subelements %mul3A_414, 1 {pack_format = #tpu.pack_format<interleaved>} : vector<32xbf16> -> vector<16xf32>
        %add3A_417 = arith.addf %add3A_292, %unpack3A_415 : vector<16xf32>
        %add3A_418 = arith.addf %add3A_293, %unpack3A_416 : vector<16xf32>
        %get3A_419 = arith.index_cast %add3A_311 : i32 to index
        %get3A_420 = arith.constant 112 : index
        %get3A_421 = tpu.vector_load %arg11[%get3A_419, %get3A_420] {strides = array<i32>} : memref<80x128xi32, #tpu.memory_space<vmem>>, vector<16xi32>,
        %bitcast3A_422 = vector.bitcast %get3A_421 : vector<16xi32> to vector<32xbf16>
        %get3A_423 = arith.index_cast %add3A_311 : i32 to index
        %get3A_424 = arith.constant 112 : index
        %get3A_425 = tpu.vector_load %arg13[%get3A_423, %get3A_424] {strides = array<i32>} : memref<80x128xi32, #tpu.memory_space<vmem>>, vector<16xi32>,
        %bitcast3A_426 = vector.bitcast %get3A_425 : vector<16xi32> to vector<32xbf16>
        %mul3A_427 = arith.mulf %bitcast3A_422, %bitcast3A_426 : vector<32xbf16>
        %mul3A_428 = arith.mulf %mul3A_427, %pack3A_320 : vector<32xbf16>
        %unpack3A_429 = tpu.unpack_subelements %mul3A_428, 0 {pack_format = #tpu.pack_format<interleaved>} : vector<32xbf16> -> vector<16xf32>
        %unpack3A_430 = tpu.unpack_subelements %mul3A_428, 1 {pack_format = #tpu.pack_format<interleaved>} : vector<32xbf16> -> vector<16xf32>
        %add3A_431 = arith.addf %add3A_306, %unpack3A_429 : vector<16xf32>
        %add3A_432 = arith.addf %add3A_307, %unpack3A_430 : vector<16xf32>
        scf.yield %add3A_333, %add3A_334, %add3A_347, %add3A_348, %add3A_361, %add3A_362, %add3A_375, %add3A_376, %add3A_389, %add3A_390, %add3A_403, %add3A_404, %add3A_417, %add3A_418, %add3A_431, %add3A_432 : vector<16xf32>, vector<16xf32>, vector<16xf32>, vector<16xf32>, vector<16xf32>, vector<16xf32>, vector<16xf32>, vector<16xf32>, vector<16xf32>, vector<16xf32>, vector<16xf32>, vector<16xf32>, vector<16xf32>, vector<16xf32>, vector<16xf32>, vector<16xf32>
      }
      %scan3A_172 = arith.constant 40 : i32
      scf.yield %scan3A_171#0, %scan3A_171#1, %scan3A_171#2, %scan3A_171#3, %scan3A_171#4, %scan3A_171#5, %scan3A_171#6, %scan3A_171#7, %scan3A_171#8, %scan3A_171#9, %scan3A_171#10, %scan3A_171#11, %scan3A_171#12, %scan3A_171#13, %scan3A_171#14, %scan3A_171#15 : vector<16xf32>, vector<16xf32>, vector<16xf32>, vector<16xf32>, vector<16xf32>, vector<16xf32>, vector<16xf32>, vector<16xf32>, vector<16xf32>, vector<16xf32>, vector<16xf32>, vector<16xf32>, vector<16xf32>, vector<16xf32>, vector<16xf32>, vector<16xf32>
    }
    %scan3A_47 = arith.constant 62 : i32
    %dma_wait3A = arith.constant 0 : i32
    %dma_wait3A_48 = tpu.memref_slice %arg7[%dma_wait3A] : memref<10000xi32, #tpu.memory_space<vmem>> -> memref<80xi32, #tpu.memory_space<vmem>>
    %dma_wait3A_49 = arith.constant 0 : i32
    %dma_wait3A_50 = arith.constant 0 : i32
    %dma_wait3A_51 = tpu.memref_slice %arg2[%dma_wait3A_49, %dma_wait3A_50] : memref<10000x128xi32, #tpu.memory_space<hbm>> -> memref<10000x128xi32, #tpu.memory_space<hbm>>
    tpu.wait_indirect_dma semaphore(%arg15 : memref<!tpu.dma_semaphore, #tpu.memory_space<semaphore_mem>>) src(%dma_wait3A_51 : memref<10000x128xi32, #tpu.memory_space<hbm>>) dst(%arg10 : memref<80x128xi32, #tpu.memory_space<vmem>>)
    %dma_wait3A_52 = arith.constant 0 : i32
    %dma_wait3A_53 = tpu.memref_slice %arg8[%dma_wait3A_52] : memref<10000xi32, #tpu.memory_space<vmem>> -> memref<80xi32, #tpu.memory_space<vmem>>
    %dma_wait3A_54 = arith.constant 0 : i32
    %dma_wait3A_55 = arith.constant 0 : i32
    %dma_wait3A_56 = tpu.memref_slice %arg2[%dma_wait3A_54, %dma_wait3A_55] : memref<10000x128xi32, #tpu.memory_space<hbm>> -> memref<10000x128xi32, #tpu.memory_space<hbm>>
    tpu.wait_indirect_dma semaphore(%arg15 : memref<!tpu.dma_semaphore, #tpu.memory_space<semaphore_mem>>) src(%dma_wait3A_56 : memref<10000x128xi32, #tpu.memory_space<hbm>>) dst(%arg12 : memref<80x128xi32, #tpu.memory_space<vmem>>)
    %scan3A_57 = arith.constant 0 : i32
    %scan3A_58 = arith.constant 40 : i32
    %scan3A_59 = arith.addi %scan3A_57, %scan3A_58 : i32
    %scan3A_60 = arith.constant 1 : i32
    %scan3A_61:16 = scf.for %scan3A_94 = %scan3A_57 to %scan3A_59 step %scan3A_60 iter_args(%scan3A_95 = %scan3A_46#0, %scan3A_96 = %scan3A_46#1, %scan3A_97 = %scan3A_46#2, %scan3A_98 = %scan3A_46#3, %scan3A_99 = %scan3A_46#4, %scan3A_100 = %scan3A_46#5, %scan3A_101 = %scan3A_46#6, %scan3A_102 = %scan3A_46#7, %scan3A_103 = %scan3A_46#8, %scan3A_104 = %scan3A_46#9, %scan3A_105 = %scan3A_46#10, %scan3A_106 = %scan3A_46#11, %scan3A_107 = %scan3A_46#12, %scan3A_108 = %scan3A_46#13, %scan3A_109 = %scan3A_46#14, %scan3A_110 = %scan3A_46#15) -> (vector<16xf32>, vector<16xf32>, vector<16xf32>, vector<16xf32>, vector<16xf32>, vector<16xf32>, vector<16xf32>, vector<16xf32>, vector<16xf32>, vector<16xf32>, vector<16xf32>, vector<16xf32>, vector<16xf32>, vector<16xf32>, vector<16xf32>, vector<16xf32>)  : i32 {
      %mul3A_111 = arith.constant 2 : i32
      %mul3A_112 = arith.muli %mul3A_111, %scan3A_94 : i32
      %broadcast_in_dim3A_113 = arith.constant 0 : i32
      %broadcast_in_dim3A_114 = vector.broadcast %broadcast_in_dim3A_113 : i32 to vector<16xi32>
      %add3A_115 = arith.constant 9920 : i32
      %add3A_116 = arith.addi %add3A_115, %mul3A_112 : i32
      %add3A_117 = vector.broadcast %add3A_116 : i32 to vector<16xi32>
      %add3A_118 = arith.addi %broadcast_in_dim3A_114, %add3A_117 : vector<16xi32>
      %gather3A = tpu.vector_load_idx %arg9[%add3A_118] : memref<10000xf32, #tpu.memory_space<vmem>>[vector<16xi32>], vector<16xf32>,
      %pack3A = tpu.pack_subelements %gather3A, %gather3A {pack_format = #tpu.pack_format<interleaved>, positions = array<i32: 0, 1>} : vector<16xf32>, vector<16xf32> -> vector<32xbf16>
      %get3A = arith.index_cast %mul3A_112 : i32 to index
      %get3A_119 = arith.constant 0 : index
      %get3A_120 = tpu.vector_load %arg10[%get3A, %get3A_119] {strides = array<i32>} : memref<80x128xi32, #tpu.memory_space<vmem>>, vector<16xi32>,
      %bitcast3A = vector.bitcast %get3A_120 : vector<16xi32> to vector<32xbf16>
      %get3A_121 = arith.index_cast %mul3A_112 : i32 to index
      %get3A_122 = arith.constant 0 : index
      %get3A_123 = tpu.vector_load %arg12[%get3A_121, %get3A_122] {strides = array<i32>} : memref<80x128xi32, #tpu.memory_space<vmem>>, vector<16xi32>,
      %bitcast3A_124 = vector.bitcast %get3A_123 : vector<16xi32> to vector<32xbf16>
      %mul3A_125 = arith.mulf %bitcast3A, %bitcast3A_124 : vector<32xbf16>
      %mul3A_126 = arith.mulf %mul3A_125, %pack3A : vector<32xbf16>
      %unpack3A = tpu.unpack_subelements %mul3A_126, 0 {pack_format = #tpu.pack_format<interleaved>} : vector<32xbf16> -> vector<16xf32>
      %unpack3A_127 = tpu.unpack_subelements %mul3A_126, 1 {pack_format = #tpu.pack_format<interleaved>} : vector<32xbf16> -> vector<16xf32>
      %add3A_128 = arith.addf %scan3A_95, %unpack3A : vector<16xf32>
      %add3A_129 = arith.addf %scan3A_96, %unpack3A_127 : vector<16xf32>
      %get3A_130 = arith.index_cast %mul3A_112 : i32 to index
      %get3A_131 = arith.constant 16 : index
      %get3A_132 = tpu.vector_load %arg10[%get3A_130, %get3A_131] {strides = array<i32>} : memref<80x128xi32, #tpu.memory_space<vmem>>, vector<16xi32>,
      %bitcast3A_133 = vector.bitcast %get3A_132 : vector<16xi32> to vector<32xbf16>
      %get3A_134 = arith.index_cast %mul3A_112 : i32 to index
      %get3A_135 = arith.constant 16 : index
      %get3A_136 = tpu.vector_load %arg12[%get3A_134, %get3A_135] {strides = array<i32>} : memref<80x128xi32, #tpu.memory_space<vmem>>, vector<16xi32>,
      %bitcast3A_137 = vector.bitcast %get3A_136 : vector<16xi32> to vector<32xbf16>
      %mul3A_138 = arith.mulf %bitcast3A_133, %bitcast3A_137 : vector<32xbf16>
      %mul3A_139 = arith.mulf %mul3A_138, %pack3A : vector<32xbf16>
      %unpack3A_140 = tpu.unpack_subelements %mul3A_139, 0 {pack_format = #tpu.pack_format<interleaved>} : vector<32xbf16> -> vector<16xf32>
      %unpack3A_141 = tpu.unpack_subelements %mul3A_139, 1 {pack_format = #tpu.pack_format<interleaved>} : vector<32xbf16> -> vector<16xf32>
      %add3A_142 = arith.addf %scan3A_97, %unpack3A_140 : vector<16xf32>
      %add3A_143 = arith.addf %scan3A_98, %unpack3A_141 : vector<16xf32>
      %get3A_144 = arith.index_cast %mul3A_112 : i32 to index
      %get3A_145 = arith.constant 32 : index
      %get3A_146 = tpu.vector_load %arg10[%get3A_144, %get3A_145] {strides = array<i32>} : memref<80x128xi32, #tpu.memory_space<vmem>>, vector<16xi32>,
      %bitcast3A_147 = vector.bitcast %get3A_146 : vector<16xi32> to vector<32xbf16>
      %get3A_148 = arith.index_cast %mul3A_112 : i32 to index
      %get3A_149 = arith.constant 32 : index
      %get3A_150 = tpu.vector_load %arg12[%get3A_148, %get3A_149] {strides = array<i32>} : memref<80x128xi32, #tpu.memory_space<vmem>>, vector<16xi32>,
      %bitcast3A_151 = vector.bitcast %get3A_150 : vector<16xi32> to vector<32xbf16>
      %mul3A_152 = arith.mulf %bitcast3A_147, %bitcast3A_151 : vector<32xbf16>
      %mul3A_153 = arith.mulf %mul3A_152, %pack3A : vector<32xbf16>
      %unpack3A_154 = tpu.unpack_subelements %mul3A_153, 0 {pack_format = #tpu.pack_format<interleaved>} : vector<32xbf16> -> vector<16xf32>
      %unpack3A_155 = tpu.unpack_subelements %mul3A_153, 1 {pack_format = #tpu.pack_format<interleaved>} : vector<32xbf16> -> vector<16xf32>
      %add3A_156 = arith.addf %scan3A_99, %unpack3A_154 : vector<16xf32>
      %add3A_157 = arith.addf %scan3A_100, %unpack3A_155 : vector<16xf32>
      %get3A_158 = arith.index_cast %mul3A_112 : i32 to index
      %get3A_159 = arith.constant 48 : index
      %get3A_160 = tpu.vector_load %arg10[%get3A_158, %get3A_159] {strides = array<i32>} : memref<80x128xi32, #tpu.memory_space<vmem>>, vector<16xi32>,
      %bitcast3A_161 = vector.bitcast %get3A_160 : vector<16xi32> to vector<32xbf16>
      %get3A_162 = arith.index_cast %mul3A_112 : i32 to index
      %get3A_163 = arith.constant 48 : index
      %get3A_164 = tpu.vector_load %arg12[%get3A_162, %get3A_163] {strides = array<i32>} : memref<80x128xi32, #tpu.memory_space<vmem>>, vector<16xi32>,
      %bitcast3A_165 = vector.bitcast %get3A_164 : vector<16xi32> to vector<32xbf16>
      %mul3A_166 = arith.mulf %bitcast3A_161, %bitcast3A_165 : vector<32xbf16>
      %mul3A_167 = arith.mulf %mul3A_166, %pack3A : vector<32xbf16>
      %unpack3A_168 = tpu.unpack_subelements %mul3A_167, 0 {pack_format = #tpu.pack_format<interleaved>} : vector<32xbf16> -> vector<16xf32>
      %unpack3A_169 = tpu.unpack_subelements %mul3A_167, 1 {pack_format = #tpu.pack_format<interleaved>} : vector<32xbf16> -> vector<16xf32>
      %add3A_170 = arith.addf %scan3A_101, %unpack3A_168 : vector<16xf32>
      %add3A_171 = arith.addf %scan3A_102, %unpack3A_169 : vector<16xf32>
      %get3A_172 = arith.index_cast %mul3A_112 : i32 to index
      %get3A_173 = arith.constant 64 : index
      %get3A_174 = tpu.vector_load %arg10[%get3A_172, %get3A_173] {strides = array<i32>} : memref<80x128xi32, #tpu.memory_space<vmem>>, vector<16xi32>,
      %bitcast3A_175 = vector.bitcast %get3A_174 : vector<16xi32> to vector<32xbf16>
      %get3A_176 = arith.index_cast %mul3A_112 : i32 to index
      %get3A_177 = arith.constant 64 : index
      %get3A_178 = tpu.vector_load %arg12[%get3A_176, %get3A_177] {strides = array<i32>} : memref<80x128xi32, #tpu.memory_space<vmem>>, vector<16xi32>,
      %bitcast3A_179 = vector.bitcast %get3A_178 : vector<16xi32> to vector<32xbf16>
      %mul3A_180 = arith.mulf %bitcast3A_175, %bitcast3A_179 : vector<32xbf16>
      %mul3A_181 = arith.mulf %mul3A_180, %pack3A : vector<32xbf16>
      %unpack3A_182 = tpu.unpack_subelements %mul3A_181, 0 {pack_format = #tpu.pack_format<interleaved>} : vector<32xbf16> -> vector<16xf32>
      %unpack3A_183 = tpu.unpack_subelements %mul3A_181, 1 {pack_format = #tpu.pack_format<interleaved>} : vector<32xbf16> -> vector<16xf32>
      %add3A_184 = arith.addf %scan3A_103, %unpack3A_182 : vector<16xf32>
      %add3A_185 = arith.addf %scan3A_104, %unpack3A_183 : vector<16xf32>
      %get3A_186 = arith.index_cast %mul3A_112 : i32 to index
      %get3A_187 = arith.constant 80 : index
      %get3A_188 = tpu.vector_load %arg10[%get3A_186, %get3A_187] {strides = array<i32>} : memref<80x128xi32, #tpu.memory_space<vmem>>, vector<16xi32>,
      %bitcast3A_189 = vector.bitcast %get3A_188 : vector<16xi32> to vector<32xbf16>
      %get3A_190 = arith.index_cast %mul3A_112 : i32 to index
      %get3A_191 = arith.constant 80 : index
      %get3A_192 = tpu.vector_load %arg12[%get3A_190, %get3A_191] {strides = array<i32>} : memref<80x128xi32, #tpu.memory_space<vmem>>, vector<16xi32>,
      %bitcast3A_193 = vector.bitcast %get3A_192 : vector<16xi32> to vector<32xbf16>
      %mul3A_194 = arith.mulf %bitcast3A_189, %bitcast3A_193 : vector<32xbf16>
      %mul3A_195 = arith.mulf %mul3A_194, %pack3A : vector<32xbf16>
      %unpack3A_196 = tpu.unpack_subelements %mul3A_195, 0 {pack_format = #tpu.pack_format<interleaved>} : vector<32xbf16> -> vector<16xf32>
      %unpack3A_197 = tpu.unpack_subelements %mul3A_195, 1 {pack_format = #tpu.pack_format<interleaved>} : vector<32xbf16> -> vector<16xf32>
      %add3A_198 = arith.addf %scan3A_105, %unpack3A_196 : vector<16xf32>
      %add3A_199 = arith.addf %scan3A_106, %unpack3A_197 : vector<16xf32>
      %get3A_200 = arith.index_cast %mul3A_112 : i32 to index
      %get3A_201 = arith.constant 96 : index
      %get3A_202 = tpu.vector_load %arg10[%get3A_200, %get3A_201] {strides = array<i32>} : memref<80x128xi32, #tpu.memory_space<vmem>>, vector<16xi32>,
      %bitcast3A_203 = vector.bitcast %get3A_202 : vector<16xi32> to vector<32xbf16>
      %get3A_204 = arith.index_cast %mul3A_112 : i32 to index
      %get3A_205 = arith.constant 96 : index
      %get3A_206 = tpu.vector_load %arg12[%get3A_204, %get3A_205] {strides = array<i32>} : memref<80x128xi32, #tpu.memory_space<vmem>>, vector<16xi32>,
      %bitcast3A_207 = vector.bitcast %get3A_206 : vector<16xi32> to vector<32xbf16>
      %mul3A_208 = arith.mulf %bitcast3A_203, %bitcast3A_207 : vector<32xbf16>
      %mul3A_209 = arith.mulf %mul3A_208, %pack3A : vector<32xbf16>
      %unpack3A_210 = tpu.unpack_subelements %mul3A_209, 0 {pack_format = #tpu.pack_format<interleaved>} : vector<32xbf16> -> vector<16xf32>
      %unpack3A_211 = tpu.unpack_subelements %mul3A_209, 1 {pack_format = #tpu.pack_format<interleaved>} : vector<32xbf16> -> vector<16xf32>
      %add3A_212 = arith.addf %scan3A_107, %unpack3A_210 : vector<16xf32>
      %add3A_213 = arith.addf %scan3A_108, %unpack3A_211 : vector<16xf32>
      %get3A_214 = arith.index_cast %mul3A_112 : i32 to index
      %get3A_215 = arith.constant 112 : index
      %get3A_216 = tpu.vector_load %arg10[%get3A_214, %get3A_215] {strides = array<i32>} : memref<80x128xi32, #tpu.memory_space<vmem>>, vector<16xi32>,
      %bitcast3A_217 = vector.bitcast %get3A_216 : vector<16xi32> to vector<32xbf16>
      %get3A_218 = arith.index_cast %mul3A_112 : i32 to index
      %get3A_219 = arith.constant 112 : index
      %get3A_220 = tpu.vector_load %arg12[%get3A_218, %get3A_219] {strides = array<i32>} : memref<80x128xi32, #tpu.memory_space<vmem>>, vector<16xi32>,
      %bitcast3A_221 = vector.bitcast %get3A_220 : vector<16xi32> to vector<32xbf16>
      %mul3A_222 = arith.mulf %bitcast3A_217, %bitcast3A_221 : vector<32xbf16>
      %mul3A_223 = arith.mulf %mul3A_222, %pack3A : vector<32xbf16>
      %unpack3A_224 = tpu.unpack_subelements %mul3A_223, 0 {pack_format = #tpu.pack_format<interleaved>} : vector<32xbf16> -> vector<16xf32>
      %unpack3A_225 = tpu.unpack_subelements %mul3A_223, 1 {pack_format = #tpu.pack_format<interleaved>} : vector<32xbf16> -> vector<16xf32>
      %add3A_226 = arith.addf %scan3A_109, %unpack3A_224 : vector<16xf32>
      %add3A_227 = arith.addf %scan3A_110, %unpack3A_225 : vector<16xf32>
      %mul3A_228 = arith.constant 2 : i32
      %mul3A_229 = arith.muli %mul3A_228, %scan3A_94 : i32
      %add3A_230 = arith.constant 1 : i32
      %add3A_231 = arith.addi %mul3A_229, %add3A_230 : i32
      %broadcast_in_dim3A_232 = arith.constant 0 : i32
      %broadcast_in_dim3A_233 = vector.broadcast %broadcast_in_dim3A_232 : i32 to vector<16xi32>
      %add3A_234 = arith.constant 9920 : i32
      %add3A_235 = arith.addi %add3A_234, %add3A_231 : i32
      %add3A_236 = vector.broadcast %add3A_235 : i32 to vector<16xi32>
      %add3A_237 = arith.addi %broadcast_in_dim3A_233, %add3A_236 : vector<16xi32>
      %gather3A_238 = tpu.vector_load_idx %arg9[%add3A_237] : memref<10000xf32, #tpu.memory_space<vmem>>[vector<16xi32>], vector<16xf32>,
      %pack3A_239 = tpu.pack_subelements %gather3A_238, %gather3A_238 {pack_format = #tpu.pack_format<interleaved>, positions = array<i32: 0, 1>} : vector<16xf32>, vector<16xf32> -> vector<32xbf16>
      %get3A_240 = arith.index_cast %add3A_231 : i32 to index
      %get3A_241 = arith.constant 0 : index
      %get3A_242 = tpu.vector_load %arg10[%get3A_240, %get3A_241] {strides = array<i32>} : memref<80x128xi32, #tpu.memory_space<vmem>>, vector<16xi32>,
      %bitcast3A_243 = vector.bitcast %get3A_242 : vector<16xi32> to vector<32xbf16>
      %get3A_244 = arith.index_cast %add3A_231 : i32 to index
      %get3A_245 = arith.constant 0 : index
      %get3A_246 = tpu.vector_load %arg12[%get3A_244, %get3A_245] {strides = array<i32>} : memref<80x128xi32, #tpu.memory_space<vmem>>, vector<16xi32>,
      %bitcast3A_247 = vector.bitcast %get3A_246 : vector<16xi32> to vector<32xbf16>
      %mul3A_248 = arith.mulf %bitcast3A_243, %bitcast3A_247 : vector<32xbf16>
      %mul3A_249 = arith.mulf %mul3A_248, %pack3A_239 : vector<32xbf16>
      %unpack3A_250 = tpu.unpack_subelements %mul3A_249, 0 {pack_format = #tpu.pack_format<interleaved>} : vector<32xbf16> -> vector<16xf32>
      %unpack3A_251 = tpu.unpack_subelements %mul3A_249, 1 {pack_format = #tpu.pack_format<interleaved>} : vector<32xbf16> -> vector<16xf32>
      %add3A_252 = arith.addf %add3A_128, %unpack3A_250 : vector<16xf32>
      %add3A_253 = arith.addf %add3A_129, %unpack3A_251 : vector<16xf32>
      %get3A_254 = arith.index_cast %add3A_231 : i32 to index
      %get3A_255 = arith.constant 16 : index
      %get3A_256 = tpu.vector_load %arg10[%get3A_254, %get3A_255] {strides = array<i32>} : memref<80x128xi32, #tpu.memory_space<vmem>>, vector<16xi32>,
      %bitcast3A_257 = vector.bitcast %get3A_256 : vector<16xi32> to vector<32xbf16>
      %get3A_258 = arith.index_cast %add3A_231 : i32 to index
      %get3A_259 = arith.constant 16 : index
      %get3A_260 = tpu.vector_load %arg12[%get3A_258, %get3A_259] {strides = array<i32>} : memref<80x128xi32, #tpu.memory_space<vmem>>, vector<16xi32>,
      %bitcast3A_261 = vector.bitcast %get3A_260 : vector<16xi32> to vector<32xbf16>
      %mul3A_262 = arith.mulf %bitcast3A_257, %bitcast3A_261 : vector<32xbf16>
      %mul3A_263 = arith.mulf %mul3A_262, %pack3A_239 : vector<32xbf16>
      %unpack3A_264 = tpu.unpack_subelements %mul3A_263, 0 {pack_format = #tpu.pack_format<interleaved>} : vector<32xbf16> -> vector<16xf32>
      %unpack3A_265 = tpu.unpack_subelements %mul3A_263, 1 {pack_format = #tpu.pack_format<interleaved>} : vector<32xbf16> -> vector<16xf32>
      %add3A_266 = arith.addf %add3A_142, %unpack3A_264 : vector<16xf32>
      %add3A_267 = arith.addf %add3A_143, %unpack3A_265 : vector<16xf32>
      %get3A_268 = arith.index_cast %add3A_231 : i32 to index
      %get3A_269 = arith.constant 32 : index
      %get3A_270 = tpu.vector_load %arg10[%get3A_268, %get3A_269] {strides = array<i32>} : memref<80x128xi32, #tpu.memory_space<vmem>>, vector<16xi32>,
      %bitcast3A_271 = vector.bitcast %get3A_270 : vector<16xi32> to vector<32xbf16>
      %get3A_272 = arith.index_cast %add3A_231 : i32 to index
      %get3A_273 = arith.constant 32 : index
      %get3A_274 = tpu.vector_load %arg12[%get3A_272, %get3A_273] {strides = array<i32>} : memref<80x128xi32, #tpu.memory_space<vmem>>, vector<16xi32>,
      %bitcast3A_275 = vector.bitcast %get3A_274 : vector<16xi32> to vector<32xbf16>
      %mul3A_276 = arith.mulf %bitcast3A_271, %bitcast3A_275 : vector<32xbf16>
      %mul3A_277 = arith.mulf %mul3A_276, %pack3A_239 : vector<32xbf16>
      %unpack3A_278 = tpu.unpack_subelements %mul3A_277, 0 {pack_format = #tpu.pack_format<interleaved>} : vector<32xbf16> -> vector<16xf32>
      %unpack3A_279 = tpu.unpack_subelements %mul3A_277, 1 {pack_format = #tpu.pack_format<interleaved>} : vector<32xbf16> -> vector<16xf32>
      %add3A_280 = arith.addf %add3A_156, %unpack3A_278 : vector<16xf32>
      %add3A_281 = arith.addf %add3A_157, %unpack3A_279 : vector<16xf32>
      %get3A_282 = arith.index_cast %add3A_231 : i32 to index
      %get3A_283 = arith.constant 48 : index
      %get3A_284 = tpu.vector_load %arg10[%get3A_282, %get3A_283] {strides = array<i32>} : memref<80x128xi32, #tpu.memory_space<vmem>>, vector<16xi32>,
      %bitcast3A_285 = vector.bitcast %get3A_284 : vector<16xi32> to vector<32xbf16>
      %get3A_286 = arith.index_cast %add3A_231 : i32 to index
      %get3A_287 = arith.constant 48 : index
      %get3A_288 = tpu.vector_load %arg12[%get3A_286, %get3A_287] {strides = array<i32>} : memref<80x128xi32, #tpu.memory_space<vmem>>, vector<16xi32>,
      %bitcast3A_289 = vector.bitcast %get3A_288 : vector<16xi32> to vector<32xbf16>
      %mul3A_290 = arith.mulf %bitcast3A_285, %bitcast3A_289 : vector<32xbf16>
      %mul3A_291 = arith.mulf %mul3A_290, %pack3A_239 : vector<32xbf16>
      %unpack3A_292 = tpu.unpack_subelements %mul3A_291, 0 {pack_format = #tpu.pack_format<interleaved>} : vector<32xbf16> -> vector<16xf32>
      %unpack3A_293 = tpu.unpack_subelements %mul3A_291, 1 {pack_format = #tpu.pack_format<interleaved>} : vector<32xbf16> -> vector<16xf32>
      %add3A_294 = arith.addf %add3A_170, %unpack3A_292 : vector<16xf32>
      %add3A_295 = arith.addf %add3A_171, %unpack3A_293 : vector<16xf32>
      %get3A_296 = arith.index_cast %add3A_231 : i32 to index
      %get3A_297 = arith.constant 64 : index
      %get3A_298 = tpu.vector_load %arg10[%get3A_296, %get3A_297] {strides = array<i32>} : memref<80x128xi32, #tpu.memory_space<vmem>>, vector<16xi32>,
      %bitcast3A_299 = vector.bitcast %get3A_298 : vector<16xi32> to vector<32xbf16>
      %get3A_300 = arith.index_cast %add3A_231 : i32 to index
      %get3A_301 = arith.constant 64 : index
      %get3A_302 = tpu.vector_load %arg12[%get3A_300, %get3A_301] {strides = array<i32>} : memref<80x128xi32, #tpu.memory_space<vmem>>, vector<16xi32>,
      %bitcast3A_303 = vector.bitcast %get3A_302 : vector<16xi32> to vector<32xbf16>
      %mul3A_304 = arith.mulf %bitcast3A_299, %bitcast3A_303 : vector<32xbf16>
      %mul3A_305 = arith.mulf %mul3A_304, %pack3A_239 : vector<32xbf16>
      %unpack3A_306 = tpu.unpack_subelements %mul3A_305, 0 {pack_format = #tpu.pack_format<interleaved>} : vector<32xbf16> -> vector<16xf32>
      %unpack3A_307 = tpu.unpack_subelements %mul3A_305, 1 {pack_format = #tpu.pack_format<interleaved>} : vector<32xbf16> -> vector<16xf32>
      %add3A_308 = arith.addf %add3A_184, %unpack3A_306 : vector<16xf32>
      %add3A_309 = arith.addf %add3A_185, %unpack3A_307 : vector<16xf32>
      %get3A_310 = arith.index_cast %add3A_231 : i32 to index
      %get3A_311 = arith.constant 80 : index
      %get3A_312 = tpu.vector_load %arg10[%get3A_310, %get3A_311] {strides = array<i32>} : memref<80x128xi32, #tpu.memory_space<vmem>>, vector<16xi32>,
      %bitcast3A_313 = vector.bitcast %get3A_312 : vector<16xi32> to vector<32xbf16>
      %get3A_314 = arith.index_cast %add3A_231 : i32 to index
      %get3A_315 = arith.constant 80 : index
      %get3A_316 = tpu.vector_load %arg12[%get3A_314, %get3A_315] {strides = array<i32>} : memref<80x128xi32, #tpu.memory_space<vmem>>, vector<16xi32>,
      %bitcast3A_317 = vector.bitcast %get3A_316 : vector<16xi32> to vector<32xbf16>
      %mul3A_318 = arith.mulf %bitcast3A_313, %bitcast3A_317 : vector<32xbf16>
      %mul3A_319 = arith.mulf %mul3A_318, %pack3A_239 : vector<32xbf16>
      %unpack3A_320 = tpu.unpack_subelements %mul3A_319, 0 {pack_format = #tpu.pack_format<interleaved>} : vector<32xbf16> -> vector<16xf32>
      %unpack3A_321 = tpu.unpack_subelements %mul3A_319, 1 {pack_format = #tpu.pack_format<interleaved>} : vector<32xbf16> -> vector<16xf32>
      %add3A_322 = arith.addf %add3A_198, %unpack3A_320 : vector<16xf32>
      %add3A_323 = arith.addf %add3A_199, %unpack3A_321 : vector<16xf32>
      %get3A_324 = arith.index_cast %add3A_231 : i32 to index
      %get3A_325 = arith.constant 96 : index
      %get3A_326 = tpu.vector_load %arg10[%get3A_324, %get3A_325] {strides = array<i32>} : memref<80x128xi32, #tpu.memory_space<vmem>>, vector<16xi32>,
      %bitcast3A_327 = vector.bitcast %get3A_326 : vector<16xi32> to vector<32xbf16>
      %get3A_328 = arith.index_cast %add3A_231 : i32 to index
      %get3A_329 = arith.constant 96 : index
      %get3A_330 = tpu.vector_load %arg12[%get3A_328, %get3A_329] {strides = array<i32>} : memref<80x128xi32, #tpu.memory_space<vmem>>, vector<16xi32>,
      %bitcast3A_331 = vector.bitcast %get3A_330 : vector<16xi32> to vector<32xbf16>
      %mul3A_332 = arith.mulf %bitcast3A_327, %bitcast3A_331 : vector<32xbf16>
      %mul3A_333 = arith.mulf %mul3A_332, %pack3A_239 : vector<32xbf16>
      %unpack3A_334 = tpu.unpack_subelements %mul3A_333, 0 {pack_format = #tpu.pack_format<interleaved>} : vector<32xbf16> -> vector<16xf32>
      %unpack3A_335 = tpu.unpack_subelements %mul3A_333, 1 {pack_format = #tpu.pack_format<interleaved>} : vector<32xbf16> -> vector<16xf32>
      %add3A_336 = arith.addf %add3A_212, %unpack3A_334 : vector<16xf32>
      %add3A_337 = arith.addf %add3A_213, %unpack3A_335 : vector<16xf32>
      %get3A_338 = arith.index_cast %add3A_231 : i32 to index
      %get3A_339 = arith.constant 112 : index
      %get3A_340 = tpu.vector_load %arg10[%get3A_338, %get3A_339] {strides = array<i32>} : memref<80x128xi32, #tpu.memory_space<vmem>>, vector<16xi32>,
      %bitcast3A_341 = vector.bitcast %get3A_340 : vector<16xi32> to vector<32xbf16>
      %get3A_342 = arith.index_cast %add3A_231 : i32 to index
      %get3A_343 = arith.constant 112 : index
      %get3A_344 = tpu.vector_load %arg12[%get3A_342, %get3A_343] {strides = array<i32>} : memref<80x128xi32, #tpu.memory_space<vmem>>, vector<16xi32>,
      %bitcast3A_345 = vector.bitcast %get3A_344 : vector<16xi32> to vector<32xbf16>
      %mul3A_346 = arith.mulf %bitcast3A_341, %bitcast3A_345 : vector<32xbf16>
      %mul3A_347 = arith.mulf %mul3A_346, %pack3A_239 : vector<32xbf16>
      %unpack3A_348 = tpu.unpack_subelements %mul3A_347, 0 {pack_format = #tpu.pack_format<interleaved>} : vector<32xbf16> -> vector<16xf32>
      %unpack3A_349 = tpu.unpack_subelements %mul3A_347, 1 {pack_format = #tpu.pack_format<interleaved>} : vector<32xbf16> -> vector<16xf32>
      %add3A_350 = arith.addf %add3A_226, %unpack3A_348 : vector<16xf32>
      %add3A_351 = arith.addf %add3A_227, %unpack3A_349 : vector<16xf32>
      scf.yield %add3A_252, %add3A_253, %add3A_266, %add3A_267, %add3A_280, %add3A_281, %add3A_294, %add3A_295, %add3A_308, %add3A_309, %add3A_322, %add3A_323, %add3A_336, %add3A_337, %add3A_350, %add3A_351 : vector<16xf32>, vector<16xf32>, vector<16xf32>, vector<16xf32>, vector<16xf32>, vector<16xf32>, vector<16xf32>, vector<16xf32>, vector<16xf32>, vector<16xf32>, vector<16xf32>, vector<16xf32>, vector<16xf32>, vector<16xf32>, vector<16xf32>, vector<16xf32>
    }
    %scan3A_62 = arith.constant 40 : i32
    %swap3A = arith.constant 0 : index
    %swap3A_63 = tpu.vector_load %arg14[%swap3A] {strides = array<i32>} : memref<256xf32, #tpu.memory_space<vmem>>, vector<16xf32>,
    tpu.vector_store %arg14[%swap3A], %scan3A_61#0 {strides = array<i32>} : memref<256xf32, #tpu.memory_space<vmem>>, vector<16xf32>,
    %swap3A_64 = arith.constant 16 : index
    %swap3A_65 = tpu.vector_load %arg14[%swap3A_64] {strides = array<i32>} : memref<256xf32, #tpu.memory_space<vmem>>, vector<16xf32>,
    tpu.vector_store %arg14[%swap3A_64], %scan3A_61#1 {strides = array<i32>} : memref<256xf32, #tpu.memory_space<vmem>>, vector<16xf32>,
    %swap3A_66 = arith.constant 32 : index
    %swap3A_67 = tpu.vector_load %arg14[%swap3A_66] {strides = array<i32>} : memref<256xf32, #tpu.memory_space<vmem>>, vector<16xf32>,
    tpu.vector_store %arg14[%swap3A_66], %scan3A_61#2 {strides = array<i32>} : memref<256xf32, #tpu.memory_space<vmem>>, vector<16xf32>,
    %swap3A_68 = arith.constant 48 : index
    %swap3A_69 = tpu.vector_load %arg14[%swap3A_68] {strides = array<i32>} : memref<256xf32, #tpu.memory_space<vmem>>, vector<16xf32>,
    tpu.vector_store %arg14[%swap3A_68], %scan3A_61#3 {strides = array<i32>} : memref<256xf32, #tpu.memory_space<vmem>>, vector<16xf32>,
    %swap3A_70 = arith.constant 64 : index
    %swap3A_71 = tpu.vector_load %arg14[%swap3A_70] {strides = array<i32>} : memref<256xf32, #tpu.memory_space<vmem>>, vector<16xf32>,
    tpu.vector_store %arg14[%swap3A_70], %scan3A_61#4 {strides = array<i32>} : memref<256xf32, #tpu.memory_space<vmem>>, vector<16xf32>,
    %swap3A_72 = arith.constant 80 : index
    %swap3A_73 = tpu.vector_load %arg14[%swap3A_72] {strides = array<i32>} : memref<256xf32, #tpu.memory_space<vmem>>, vector<16xf32>,
    tpu.vector_store %arg14[%swap3A_72], %scan3A_61#5 {strides = array<i32>} : memref<256xf32, #tpu.memory_space<vmem>>, vector<16xf32>,
    %swap3A_74 = arith.constant 96 : index
    %swap3A_75 = tpu.vector_load %arg14[%swap3A_74] {strides = array<i32>} : memref<256xf32, #tpu.memory_space<vmem>>, vector<16xf32>,
    tpu.vector_store %arg14[%swap3A_74], %scan3A_61#6 {strides = array<i32>} : memref<256xf32, #tpu.memory_space<vmem>>, vector<16xf32>,
    %swap3A_76 = arith.constant 112 : index
    %swap3A_77 = tpu.vector_load %arg14[%swap3A_76] {strides = array<i32>} : memref<256xf32, #tpu.memory_space<vmem>>, vector<16xf32>,
    tpu.vector_store %arg14[%swap3A_76], %scan3A_61#7 {strides = array<i32>} : memref<256xf32, #tpu.memory_space<vmem>>, vector<16xf32>,
    %swap3A_78 = arith.constant 128 : index
    %swap3A_79 = tpu.vector_load %arg14[%swap3A_78] {strides = array<i32>} : memref<256xf32, #tpu.memory_space<vmem>>, vector<16xf32>,
    tpu.vector_store %arg14[%swap3A_78], %scan3A_61#8 {strides = array<i32>} : memref<256xf32, #tpu.memory_space<vmem>>, vector<16xf32>,
    %swap3A_80 = arith.constant 144 : index
    %swap3A_81 = tpu.vector_load %arg14[%swap3A_80] {strides = array<i32>} : memref<256xf32, #tpu.memory_space<vmem>>, vector<16xf32>,
    tpu.vector_store %arg14[%swap3A_80], %scan3A_61#9 {strides = array<i32>} : memref<256xf32, #tpu.memory_space<vmem>>, vector<16xf32>,
    %swap3A_82 = arith.constant 160 : index
    %swap3A_83 = tpu.vector_load %arg14[%swap3A_82] {strides = array<i32>} : memref<256xf32, #tpu.memory_space<vmem>>, vector<16xf32>,
    tpu.vector_store %arg14[%swap3A_82], %scan3A_61#10 {strides = array<i32>} : memref<256xf32, #tpu.memory_space<vmem>>, vector<16xf32>,
    %swap3A_84 = arith.constant 176 : index
    %swap3A_85 = tpu.vector_load %arg14[%swap3A_84] {strides = array<i32>} : memref<256xf32, #tpu.memory_space<vmem>>, vector<16xf32>,
    tpu.vector_store %arg14[%swap3A_84], %scan3A_61#11 {strides = array<i32>} : memref<256xf32, #tpu.memory_space<vmem>>, vector<16xf32>,
    %swap3A_86 = arith.constant 192 : index
    %swap3A_87 = tpu.vector_load %arg14[%swap3A_86] {strides = array<i32>} : memref<256xf32, #tpu.memory_space<vmem>>, vector<16xf32>,
    tpu.vector_store %arg14[%swap3A_86], %scan3A_61#12 {strides = array<i32>} : memref<256xf32, #tpu.memory_space<vmem>>, vector<16xf32>,
    %swap3A_88 = arith.constant 208 : index
    %swap3A_89 = tpu.vector_load %arg14[%swap3A_88] {strides = array<i32>} : memref<256xf32, #tpu.memory_space<vmem>>, vector<16xf32>,
    tpu.vector_store %arg14[%swap3A_88], %scan3A_61#13 {strides = array<i32>} : memref<256xf32, #tpu.memory_space<vmem>>, vector<16xf32>,
    %swap3A_90 = arith.constant 224 : index
    %swap3A_91 = tpu.vector_load %arg14[%swap3A_90] {strides = array<i32>} : memref<256xf32, #tpu.memory_space<vmem>>, vector<16xf32>,
    tpu.vector_store %arg14[%swap3A_90], %scan3A_61#14 {strides = array<i32>} : memref<256xf32, #tpu.memory_space<vmem>>, vector<16xf32>,
    %swap3A_92 = arith.constant 240 : index
    %swap3A_93 = tpu.vector_load %arg14[%swap3A_92] {strides = array<i32>} : memref<256xf32, #tpu.memory_space<vmem>>, vector<16xf32>,
    tpu.vector_store %arg14[%swap3A_92], %scan3A_61#15 {strides = array<i32>} : memref<256xf32, #tpu.memory_space<vmem>>, vector<16xf32>,
    "tpu.region"() ({
      %run_scoped3A = tpu.sem_alloc : memref<!tpu.dma_semaphore, #tpu.memory_space<semaphore_mem>>
      %dma_start3A_94 = arith.constant 0 : i32
      %dma_start3A_95 = tpu.memref_slice %arg6[%add3A, %dma_start3A_94] : memref<32x256xf32, #tpu.memory_space<hbm>> -> memref<1x256xf32, #tpu.memory_space<hbm>>
      %dma_start3A_96 = tpu.memref_squeeze %dma_start3A_95 : memref<1x256xf32, #tpu.memory_space<hbm>> -> memref<256xf32, #tpu.memory_space<hbm>>
      %dma_start3A_97 = arith.constant 0 : i32
      %dma_start3A_98 = tpu.memref_slice %arg6[%add3A, %dma_start3A_97] : memref<32x256xf32, #tpu.memory_space<hbm>> -> memref<1x256xf32, #tpu.memory_space<hbm>>
      %dma_start3A_99 = tpu.memref_squeeze %dma_start3A_98 : memref<1x256xf32, #tpu.memory_space<hbm>> -> memref<256xf32, #tpu.memory_space<hbm>>
      tpu.enqueue_dma source(%arg14 : memref<256xf32, #tpu.memory_space<vmem>>) target(%dma_start3A_99 : memref<256xf32, #tpu.memory_space<hbm>>) target_semaphore(%run_scoped3A : memref<!tpu.dma_semaphore, #tpu.memory_space<semaphore_mem>>)
      %dma_wait3A_100 = arith.constant 0 : i32
      %dma_wait3A_101 = tpu.memref_slice %arg6[%add3A, %dma_wait3A_100] : memref<32x256xf32, #tpu.memory_space<hbm>> -> memref<1x256xf32, #tpu.memory_space<hbm>>
      %dma_wait3A_102 = tpu.memref_squeeze %dma_wait3A_101 : memref<1x256xf32, #tpu.memory_space<hbm>> -> memref<256xf32, #tpu.memory_space<hbm>>
      %dma_wait3A_103 = arith.constant 0 : i32
      %dma_wait3A_104 = tpu.memref_slice %arg6[%add3A, %dma_wait3A_103] : memref<32x256xf32, #tpu.memory_space<hbm>> -> memref<1x256xf32, #tpu.memory_space<hbm>>
      %dma_wait3A_105 = tpu.memref_squeeze %dma_wait3A_104 : memref<1x256xf32, #tpu.memory_space<hbm>> -> memref<256xf32, #tpu.memory_space<hbm>>
      tpu.wait_dma2 semaphore(%run_scoped3A : memref<!tpu.dma_semaphore, #tpu.memory_space<semaphore_mem>>) src(%arg14 : memref<256xf32, #tpu.memory_space<vmem>>) dst(%dma_wait3A_105 : memref<256xf32, #tpu.memory_space<hbm>>)
      tpu.yield
    }) : () -> ()
    return
  }
}

module attributes {stable_mosaic.version = 14 : i64} {
  func.func @_center_body(%arg0: i32, %arg1: memref<2000x128xf32, #tpu.memory_space<vmem>>, %arg2: memref<2000x128xf32, #tpu.memory_space<vmem>>, %arg3: memref<1x256xf32, #tpu.memory_space<vmem>>, %arg4: memref<2000x256xbf16, #tpu.memory_space<vmem>>, %arg5: memref<1x256xf32, #tpu.memory_space<vmem>>, %arg6: memref<1x256xf32, #tpu.memory_space<vmem>>) attributes {dimension_semantics = [#tpu.dimension_semantics<arbitrary>], iteration_bounds = array<i64: 5>, scalar_prefetch = 0 : i64, scratch_operands = 1 : i64, tpu.core_type = #tpu.core_type<tc>, window_params = [{transform_indices = @transform_0, window_bounds = array<i64: 2000, 128>}, {transform_indices = @transform_1, window_bounds = array<i64: 2000, 128>}, {pipeline_mode = #tpu.pipeline_mode<synchronous>, transform_indices = @transform_2, window_bounds = array<i64: 1, 256>}, {transform_indices = @transform_3, window_bounds = array<i64: 2000, 256>}, {pipeline_mode = #tpu.pipeline_mode<synchronous>, transform_indices = @transform_4, window_bounds = array<i64: 1, 256>}]} {
    %eq3A = arith.constant 0 : i32
    %eq3A_0 = arith.cmpi eq, %arg0, %eq3A : i32
    %convert_element_type3A = arith.extui %eq3A_0 : i1 to i32
    %cond3A = arith.constant 0 : i32
    %cond3A_1 = arith.cmpi ne, %convert_element_type3A, %cond3A : i32
    scf.if %cond3A_1 {
      %broadcast_in_dim3A_46 = arith.constant 0.000000e+00 : f32
      %broadcast_in_dim3A_47 = vector.broadcast %broadcast_in_dim3A_46 : f32 to vector<1x256xf32>
      %swap3A_48 = arith.constant 0 : index
      %swap3A_49 = arith.constant 0 : index
      %swap3A_50 = vector.load %arg6[%swap3A_48, %swap3A_49] : memref<1x256xf32, #tpu.memory_space<vmem>>, vector<1x256xf32>
      tpu.vector_store %arg6[%swap3A_48, %swap3A_49], %broadcast_in_dim3A_47 {strides = array<i32>} : memref<1x256xf32, #tpu.memory_space<vmem>>, vector<1x256xf32>,
    } else {
    }
    %get3A = arith.constant 0 : index
    %get3A_2 = arith.constant 0 : index
    %get3A_3 = vector.load %arg1[%get3A, %get3A_2] : memref<2000x128xf32, #tpu.memory_space<vmem>>, vector<2000x128xf32>
    %get3A_4 = arith.constant 0 : index
    %get3A_5 = arith.constant 0 : index
    %get3A_6 = vector.load %arg3[%get3A_4, %get3A_5] : memref<1x256xf32, #tpu.memory_space<vmem>>, vector<1x128xf32>
    %sub3A = vector.broadcast %get3A_6 : vector<1x128xf32> to vector<2000x128xf32>
    %sub3A_7 = arith.subf %get3A_3, %sub3A : vector<2000x128xf32>
    %get3A_8 = arith.constant 0 : index
    %get3A_9 = arith.constant 0 : index
    %get3A_10 = vector.load %arg2[%get3A_8, %get3A_9] : memref<2000x128xf32, #tpu.memory_space<vmem>>, vector<2000x128xf32>
    %get3A_11 = arith.constant 0 : index
    %get3A_12 = arith.constant 128 : index
    %get3A_13 = vector.load %arg3[%get3A_11, %get3A_12] : memref<1x256xf32, #tpu.memory_space<vmem>>, vector<1x128xf32>
    %sub3A_14 = vector.broadcast %get3A_13 : vector<1x128xf32> to vector<2000x128xf32>
    %sub3A_15 = arith.subf %get3A_10, %sub3A_14 : vector<2000x128xf32>
    %convert_element_type3A_16 = arith.truncf %sub3A_7 : vector<2000x128xf32> to vector<2000x128xbf16>
    %swap3A = arith.constant 0 : index
    %swap3A_17 = arith.constant 0 : index
    %swap3A_18 = vector.load %arg4[%swap3A, %swap3A_17] : memref<2000x256xbf16, #tpu.memory_space<vmem>>, vector<2000x128xbf16>
    tpu.vector_store %arg4[%swap3A, %swap3A_17], %convert_element_type3A_16 {strides = array<i32>} : memref<2000x256xbf16, #tpu.memory_space<vmem>>, vector<2000x128xbf16>,
    %convert_element_type3A_19 = arith.truncf %sub3A_15 : vector<2000x128xf32> to vector<2000x128xbf16>
    %swap3A_20 = arith.constant 0 : index
    %swap3A_21 = arith.constant 128 : index
    %swap3A_22 = vector.load %arg4[%swap3A_20, %swap3A_21] : memref<2000x256xbf16, #tpu.memory_space<vmem>>, vector<2000x128xbf16>
    tpu.vector_store %arg4[%swap3A_20, %swap3A_21], %convert_element_type3A_19 {strides = array<i32>} : memref<2000x256xbf16, #tpu.memory_space<vmem>>, vector<2000x128xbf16>,
    %get3A_23 = arith.constant 0 : index
    %get3A_24 = arith.constant 0 : index
    %get3A_25 = vector.load %arg6[%get3A_23, %get3A_24] : memref<1x256xf32, #tpu.memory_space<vmem>>, vector<1x128xf32>
    %mul3A = arith.mulf %sub3A_7, %sub3A_7 : vector<2000x128xf32>
    %reduce_sum3A = arith.constant dense<0.000000e+00> : vector<128xf32>
    %reduce_sum3A_26 = vector.multi_reduction <add>, %mul3A, %reduce_sum3A [0] : vector<2000x128xf32> to vector<128xf32>
    %broadcast_in_dim3A = vector.shape_cast %reduce_sum3A_26 : vector<128xf32> to vector<1x128xf32>
    %add3A = arith.addf %get3A_25, %broadcast_in_dim3A : vector<1x128xf32>
    %swap3A_27 = arith.constant 0 : index
    %swap3A_28 = arith.constant 0 : index
    %swap3A_29 = vector.load %arg6[%swap3A_27, %swap3A_28] : memref<1x256xf32, #tpu.memory_space<vmem>>, vector<1x128xf32>
    tpu.vector_store %arg6[%swap3A_27, %swap3A_28], %add3A {strides = array<i32>} : memref<1x256xf32, #tpu.memory_space<vmem>>, vector<1x128xf32>,
    %get3A_30 = arith.constant 0 : index
    %get3A_31 = arith.constant 128 : index
    %get3A_32 = vector.load %arg6[%get3A_30, %get3A_31] : memref<1x256xf32, #tpu.memory_space<vmem>>, vector<1x128xf32>
    %mul3A_33 = arith.mulf %sub3A_15, %sub3A_15 : vector<2000x128xf32>
    %reduce_sum3A_34 = arith.constant dense<0.000000e+00> : vector<128xf32>
    %reduce_sum3A_35 = vector.multi_reduction <add>, %mul3A_33, %reduce_sum3A_34 [0] : vector<2000x128xf32> to vector<128xf32>
    %broadcast_in_dim3A_36 = vector.shape_cast %reduce_sum3A_35 : vector<128xf32> to vector<1x128xf32>
    %add3A_37 = arith.addf %get3A_32, %broadcast_in_dim3A_36 : vector<1x128xf32>
    %swap3A_38 = arith.constant 0 : index
    %swap3A_39 = arith.constant 128 : index
    %swap3A_40 = vector.load %arg6[%swap3A_38, %swap3A_39] : memref<1x256xf32, #tpu.memory_space<vmem>>, vector<1x128xf32>
    tpu.vector_store %arg6[%swap3A_38, %swap3A_39], %add3A_37 {strides = array<i32>} : memref<1x256xf32, #tpu.memory_space<vmem>>, vector<1x128xf32>,
    %eq3A_41 = arith.constant 4 : i32
    %eq3A_42 = arith.cmpi eq, %arg0, %eq3A_41 : i32
    %convert_element_type3A_43 = arith.extui %eq3A_42 : i1 to i32
    %cond3A_44 = arith.constant 0 : i32
    %cond3A_45 = arith.cmpi ne, %convert_element_type3A_43, %cond3A_44 : i32
    scf.if %cond3A_45 {
      %get3A_46 = arith.constant 0 : index
      %get3A_47 = arith.constant 0 : index
      %get3A_48 = vector.load %arg6[%get3A_46, %get3A_47] : memref<1x256xf32, #tpu.memory_space<vmem>>, vector<1x256xf32>
      %swap3A_49 = arith.constant 0 : index
      %swap3A_50 = arith.constant 0 : index
      %swap3A_51 = vector.load %arg5[%swap3A_49, %swap3A_50] : memref<1x256xf32, #tpu.memory_space<vmem>>, vector<1x256xf32>
      tpu.vector_store %arg5[%swap3A_49, %swap3A_50], %get3A_48 {strides = array<i32>} : memref<1x256xf32, #tpu.memory_space<vmem>>, vector<1x256xf32>,
    } else {
    }
    return
  }
  func.func @transform_0(%arg0: i32) -> (i32, i32) {
    %c0_i32 = arith.constant 0 : i32
    %c0_i32_0 = arith.constant 0 : i32
    return %arg0, %c0_i32 : i32, i32
  }
  func.func @transform_1(%arg0: i32) -> (i32, i32) {
    %c0_i32 = arith.constant 0 : i32
    %c0_i32_0 = arith.constant 0 : i32
    return %arg0, %c0_i32 : i32, i32
  }
  func.func @transform_2(%arg0: i32) -> (i32, i32) {
    %c0_i32 = arith.constant 0 : i32
    %c0_i32_0 = arith.constant 0 : i32
    %c0_i32_1 = arith.constant 0 : i32
    return %c0_i32, %c0_i32_0 : i32, i32
  }
  func.func @transform_3(%arg0: i32) -> (i32, i32) {
    %c0_i32 = arith.constant 0 : i32
    %c0_i32_0 = arith.constant 0 : i32
    return %arg0, %c0_i32 : i32, i32
  }
  func.func @transform_4(%arg0: i32) -> (i32, i32) {
    %c0_i32 = arith.constant 0 : i32
    %c0_i32_0 = arith.constant 0 : i32
    %c0_i32_1 = arith.constant 0 : i32
    return %c0_i32, %c0_i32_0 : i32, i32
  }
}

module attributes {stable_mosaic.version = 14 : i64} {
  func.func @_moments_body(%arg0: i32, %arg1: memref<2000x128xf32, #tpu.memory_space<vmem>>, %arg2: memref<2000x128xf32, #tpu.memory_space<vmem>>, %arg3: memref<2000x32xf32, #tpu.memory_space<vmem>>, %arg4: memref<1x256xf32, #tpu.memory_space<vmem>>, %arg5: memref<1x1xf32, #tpu.memory_space<vmem>>, %arg6: memref<1x256xf32, #tpu.memory_space<vmem>>, %arg7: memref<1x1xf32, #tpu.memory_space<vmem>>) attributes {dimension_semantics = [#tpu.dimension_semantics<arbitrary>], iteration_bounds = array<i64: 5>, scalar_prefetch = 0 : i64, scratch_operands = 2 : i64, tpu.core_type = #tpu.core_type<tc>, window_params = [{transform_indices = @transform_0, window_bounds = array<i64: 2000, 128>}, {transform_indices = @transform_1, window_bounds = array<i64: 2000, 128>}, {transform_indices = @transform_2, window_bounds = array<i64: 2000, 32>}, {pipeline_mode = #tpu.pipeline_mode<synchronous>, transform_indices = @transform_3, window_bounds = array<i64: 1, 256>}, {pipeline_mode = #tpu.pipeline_mode<synchronous>, transform_indices = @transform_4, window_bounds = array<i64: 1, 1>}]} {
    %eq3A = arith.constant 0 : i32
    %eq3A_0 = arith.cmpi eq, %arg0, %eq3A : i32
    %convert_element_type3A = arith.extui %eq3A_0 : i1 to i32
    %cond3A = arith.constant 0 : i32
    %cond3A_1 = arith.cmpi ne, %convert_element_type3A, %cond3A : i32
    scf.if %cond3A_1 {
      %broadcast_in_dim3A_44 = arith.constant 0.000000e+00 : f32
      %broadcast_in_dim3A_45 = vector.broadcast %broadcast_in_dim3A_44 : f32 to vector<1x256xf32>
      %swap3A_46 = arith.constant 0 : index
      %swap3A_47 = arith.constant 0 : index
      %swap3A_48 = vector.load %arg6[%swap3A_46, %swap3A_47] : memref<1x256xf32, #tpu.memory_space<vmem>>, vector<1x256xf32>
      tpu.vector_store %arg6[%swap3A_46, %swap3A_47], %broadcast_in_dim3A_45 {strides = array<i32>} : memref<1x256xf32, #tpu.memory_space<vmem>>, vector<1x256xf32>,
      %broadcast_in_dim3A_49 = arith.constant 0.000000e+00 : f32
      %broadcast_in_dim3A_50 = vector.broadcast %broadcast_in_dim3A_49 : f32 to vector<1x1xf32>
      %swap3A_51 = arith.constant 0 : index
      %swap3A_52 = arith.constant 0 : index
      %swap3A_53 = vector.load %arg7[%swap3A_51, %swap3A_52] : memref<1x1xf32, #tpu.memory_space<vmem>>, vector<1x1xf32>
      tpu.vector_store %arg7[%swap3A_51, %swap3A_52], %broadcast_in_dim3A_50 {strides = array<i32>} : memref<1x1xf32, #tpu.memory_space<vmem>>, vector<1x1xf32>,
    } else {
    }
    %get3A = arith.constant 0 : index
    %get3A_2 = arith.constant 0 : index
    %get3A_3 = vector.load %arg6[%get3A, %get3A_2] : memref<1x256xf32, #tpu.memory_space<vmem>>, vector<1x128xf32>
    %get3A_4 = arith.constant 0 : index
    %get3A_5 = arith.constant 0 : index
    %get3A_6 = vector.load %arg1[%get3A_4, %get3A_5] : memref<2000x128xf32, #tpu.memory_space<vmem>>, vector<2000x128xf32>
    %reduce_sum3A = arith.constant dense<0.000000e+00> : vector<128xf32>
    %reduce_sum3A_7 = vector.multi_reduction <add>, %get3A_6, %reduce_sum3A [0] : vector<2000x128xf32> to vector<128xf32>
    %broadcast_in_dim3A = vector.shape_cast %reduce_sum3A_7 : vector<128xf32> to vector<1x128xf32>
    %add3A = arith.addf %get3A_3, %broadcast_in_dim3A : vector<1x128xf32>
    %swap3A = arith.constant 0 : index
    %swap3A_8 = arith.constant 0 : index
    %swap3A_9 = vector.load %arg6[%swap3A, %swap3A_8] : memref<1x256xf32, #tpu.memory_space<vmem>>, vector<1x128xf32>
    tpu.vector_store %arg6[%swap3A, %swap3A_8], %add3A {strides = array<i32>} : memref<1x256xf32, #tpu.memory_space<vmem>>, vector<1x128xf32>,
    %get3A_10 = arith.constant 0 : index
    %get3A_11 = arith.constant 128 : index
    %get3A_12 = vector.load %arg6[%get3A_10, %get3A_11] : memref<1x256xf32, #tpu.memory_space<vmem>>, vector<1x128xf32>
    %get3A_13 = arith.constant 0 : index
    %get3A_14 = arith.constant 0 : index
    %get3A_15 = vector.load %arg2[%get3A_13, %get3A_14] : memref<2000x128xf32, #tpu.memory_space<vmem>>, vector<2000x128xf32>
    %reduce_sum3A_16 = arith.constant dense<0.000000e+00> : vector<128xf32>
    %reduce_sum3A_17 = vector.multi_reduction <add>, %get3A_15, %reduce_sum3A_16 [0] : vector<2000x128xf32> to vector<128xf32>
    %broadcast_in_dim3A_18 = vector.shape_cast %reduce_sum3A_17 : vector<128xf32> to vector<1x128xf32>
    %add3A_19 = arith.addf %get3A_12, %broadcast_in_dim3A_18 : vector<1x128xf32>
    %swap3A_20 = arith.constant 0 : index
    %swap3A_21 = arith.constant 128 : index
    %swap3A_22 = vector.load %arg6[%swap3A_20, %swap3A_21] : memref<1x256xf32, #tpu.memory_space<vmem>>, vector<1x128xf32>
    tpu.vector_store %arg6[%swap3A_20, %swap3A_21], %add3A_19 {strides = array<i32>} : memref<1x256xf32, #tpu.memory_space<vmem>>, vector<1x128xf32>,
    %get3A_23 = arith.constant 0 : index
    %get3A_24 = arith.constant 0 : index
    %get3A_25 = vector.load %arg7[%get3A_23, %get3A_24] : memref<1x1xf32, #tpu.memory_space<vmem>>, vector<1x1xf32>
    %get3A_26 = arith.constant 0 : index
    %get3A_27 = arith.constant 0 : index
    %get3A_28 = vector.load %arg3[%get3A_26, %get3A_27] : memref<2000x32xf32, #tpu.memory_space<vmem>>, vector<2000x32xf32>
    %reduce_sum3A_29 = vector.shape_cast %get3A_28 : vector<2000x32xf32> to vector<1x2000x32xf32>
    %reduce_sum3A_30 = arith.constant dense<0.000000e+00> : vector<1xf32>
    %reduce_sum3A_31 = vector.multi_reduction <add>, %reduce_sum3A_29, %reduce_sum3A_30 [1, 2] : vector<1x2000x32xf32> to vector<1xf32>
    %reduce_sum3A_32 = vector.shape_cast %reduce_sum3A_31 : vector<1xf32> to vector<1x1x1xf32>
    %reduce_sum3A_33 = vector.extract %reduce_sum3A_32[0, 0, 0] : f32 from vector<1x1x1xf32>
    %broadcast_in_dim3A_34 = vector.broadcast %reduce_sum3A_33 : f32 to vector<1x1xf32>
    %add3A_35 = arith.addf %get3A_25, %broadcast_in_dim3A_34 : vector<1x1xf32>
    %swap3A_36 = arith.constant 0 : index
    %swap3A_37 = arith.constant 0 : index
    %swap3A_38 = vector.load %arg7[%swap3A_36, %swap3A_37] : memref<1x1xf32, #tpu.memory_space<vmem>>, vector<1x1xf32>
    tpu.vector_store %arg7[%swap3A_36, %swap3A_37], %add3A_35 {strides = array<i32>} : memref<1x1xf32, #tpu.memory_space<vmem>>, vector<1x1xf32>,
    %eq3A_39 = arith.constant 4 : i32
    %eq3A_40 = arith.cmpi eq, %arg0, %eq3A_39 : i32
    %convert_element_type3A_41 = arith.extui %eq3A_40 : i1 to i32
    %cond3A_42 = arith.constant 0 : i32
    %cond3A_43 = arith.cmpi ne, %convert_element_type3A_41, %cond3A_42 : i32
    scf.if %cond3A_43 {
      %get3A_44 = arith.constant 0 : index
      %get3A_45 = arith.constant 0 : index
      %get3A_46 = vector.load %arg6[%get3A_44, %get3A_45] : memref<1x256xf32, #tpu.memory_space<vmem>>, vector<1x256xf32>
      %div3A = arith.constant 1.000000e+04 : f32
      %div3A_47 = vector.broadcast %div3A : f32 to vector<1x256xf32>
      %div3A_48 = arith.divf %get3A_46, %div3A_47 : vector<1x256xf32>
      %swap3A_49 = arith.constant 0 : index
      %swap3A_50 = arith.constant 0 : index
      %swap3A_51 = vector.load %arg4[%swap3A_49, %swap3A_50] : memref<1x256xf32, #tpu.memory_space<vmem>>, vector<1x256xf32>
      tpu.vector_store %arg4[%swap3A_49, %swap3A_50], %div3A_48 {strides = array<i32>} : memref<1x256xf32, #tpu.memory_space<vmem>>, vector<1x256xf32>,
      %get3A_52 = arith.constant 0 : index
      %get3A_53 = arith.constant 0 : index
      %get3A_54 = vector.load %arg7[%get3A_52, %get3A_53] : memref<1x1xf32, #tpu.memory_space<vmem>>, vector<1x1xf32>
      %swap3A_55 = arith.constant 0 : index
      %swap3A_56 = arith.constant 0 : index
      %swap3A_57 = vector.load %arg5[%swap3A_55, %swap3A_56] : memref<1x1xf32, #tpu.memory_space<vmem>>, vector<1x1xf32>
      tpu.vector_store %arg5[%swap3A_55, %swap3A_56], %get3A_54 {strides = array<i32>} : memref<1x1xf32, #tpu.memory_space<vmem>>, vector<1x1xf32>,
    } else {
    }
    return
  }
  func.func @transform_0(%arg0: i32) -> (i32, i32) {
    %c0_i32 = arith.constant 0 : i32
    %c0_i32_0 = arith.constant 0 : i32
    return %arg0, %c0_i32 : i32, i32
  }
  func.func @transform_1(%arg0: i32) -> (i32, i32) {
    %c0_i32 = arith.constant 0 : i32
    %c0_i32_0 = arith.constant 0 : i32
    return %arg0, %c0_i32 : i32, i32
  }
  func.func @transform_2(%arg0: i32) -> (i32, i32) {
    %c0_i32 = arith.constant 0 : i32
    %c0_i32_0 = arith.constant 0 : i32
    return %arg0, %c0_i32 : i32, i32
  }
  func.func @transform_3(%arg0: i32) -> (i32, i32) {
    %c0_i32 = arith.constant 0 : i32
    %c0_i32_0 = arith.constant 0 : i32
    %c0_i32_1 = arith.constant 0 : i32
    return %c0_i32, %c0_i32_0 : i32, i32
  }
  func.func @transform_4(%arg0: i32) -> (i32, i32) {
    %c0_i32 = arith.constant 0 : i32
    %c0_i32_0 = arith.constant 0 : i32
    %c0_i32_1 = arith.constant 0 : i32
    return %c0_i32, %c0_i32_0 : i32, i32
  }
}

module attributes {stable_mosaic.version = 14 : i64} {
  func.func @_final_body(%arg0: memref<32x256xf32, #tpu.memory_space<vmem>>, %arg1: memref<1x256xf32, #tpu.memory_space<vmem>>, %arg2: memref<1x1xf32, #tpu.memory_space<vmem>>, %arg3: memref<1x1xf32, #tpu.memory_space<vmem>>) attributes {dimension_semantics = [], scalar_prefetch = 0 : i64, scratch_operands = 0 : i64, tpu.core_type = #tpu.core_type<tc>} {
    %get3A = arith.constant 0 : index
    %get3A_0 = arith.constant 0 : index
    %get3A_1 = vector.load %arg0[%get3A, %get3A_0] : memref<32x256xf32, #tpu.memory_space<vmem>>, vector<32x256xf32>
    %reduce_sum3A = arith.constant dense<0.000000e+00> : vector<256xf32>
    %reduce_sum3A_2 = vector.multi_reduction <add>, %get3A_1, %reduce_sum3A [0] : vector<32x256xf32> to vector<256xf32>
    %broadcast_in_dim3A = vector.shape_cast %reduce_sum3A_2 : vector<256xf32> to vector<1x256xf32>
    %get3A_3 = arith.constant 0 : index
    %get3A_4 = arith.constant 0 : index
    %get3A_5 = vector.load %arg1[%get3A_3, %get3A_4] : memref<1x256xf32, #tpu.memory_space<vmem>>, vector<1x256xf32>
    %eq3A = arith.constant 0.000000e+00 : f32
    %eq3A_6 = vector.broadcast %eq3A : f32 to vector<1x256xf32>
    %eq3A_7 = arith.cmpf oeq, %get3A_5, %eq3A_6 : vector<1x256xf32>
    %jit3A = arith.constant 9.99999997E-7 : f32
    %jit3A_8 = arith.constant 0.000000e+00 : f32
    %broadcast_in_dim3A_9 = vector.broadcast %jit3A : f32 to vector<1x256xf32>
    %broadcast_in_dim3A_10 = vector.broadcast %jit3A_8 : f32 to vector<1x256xf32>
    %select_n3A = arith.select %eq3A_7, %broadcast_in_dim3A_9, %broadcast_in_dim3A_10 : vector<1x256xi1>, vector<1x256xf32>
    %add3A = arith.addf %get3A_5, %select_n3A : vector<1x256xf32>
    %get3A_11 = arith.constant 0 : index
    %get3A_12 = arith.constant 0 : index
    %get3A_13 = vector.load %arg2[%get3A_11, %get3A_12] : memref<1x1xf32, #tpu.memory_space<vmem>>, vector<1x1xf32>
    %get3A_14 = vector.extract %get3A_13[0, 0] : f32 from vector<1x1xf32>
    %div3A = arith.constant 1.000000e+04 : f32
    %div3A_15 = arith.divf %div3A, %get3A_14 : f32
    %mul3A = vector.broadcast %div3A_15 : f32 to vector<1x256xf32>
    %mul3A_16 = arith.mulf %mul3A, %broadcast_in_dim3A : vector<1x256xf32>
    %div3A_17 = arith.divf %mul3A_16, %add3A : vector<1x256xf32>
    %slice3A = vector.extract_strided_slice %div3A_17 {offsets = [0, 0], sizes = [1, 128], strides = [1, 1]} : vector<1x256xf32> to vector<1x128xf32>
    %slice3A_18 = vector.extract_strided_slice %div3A_17 {offsets = [0, 128], sizes = [1, 128], strides = [1, 1]} : vector<1x256xf32> to vector<1x128xf32>
    %sub3A = arith.subf %slice3A, %slice3A_18 : vector<1x128xf32>
    %mul3A_19 = arith.mulf %sub3A, %sub3A : vector<1x128xf32>
    %reduce_sum3A_20 = vector.shape_cast %mul3A_19 : vector<1x128xf32> to vector<1x1x128xf32>
    %reduce_sum3A_21 = arith.constant dense<0.000000e+00> : vector<1xf32>
    %reduce_sum3A_22 = vector.multi_reduction <add>, %reduce_sum3A_20, %reduce_sum3A_21 [1, 2] : vector<1x1x128xf32> to vector<1xf32>
    %reduce_sum3A_23 = vector.shape_cast %reduce_sum3A_22 : vector<1xf32> to vector<1x1x1xf32>
    %reduce_sum3A_24 = vector.extract %reduce_sum3A_23[0, 0, 0] : f32 from vector<1x1x1xf32>
    %div3A_25 = arith.constant 1.280000e+02 : f32
    %div3A_26 = arith.divf %reduce_sum3A_24, %div3A_25 : f32
    %broadcast_in_dim3A_27 = vector.broadcast %div3A_26 : f32 to vector<1x1xf32>
    %swap3A = arith.constant 0 : index
    %swap3A_28 = arith.constant 0 : index
    %swap3A_29 = vector.load %arg3[%swap3A, %swap3A_28] : memref<1x1xf32, #tpu.memory_space<vmem>>, vector<1x1xf32>
    tpu.vector_store %arg3[%swap3A, %swap3A_28], %broadcast_in_dim3A_27 {strides = array<i32>} : memref<1x1xf32, #tpu.memory_space<vmem>>, vector<1x1xf32>,
    return
  }
}

</mosaic_0001>

<sc_bundles>
// kernel: kernel.6.cloned.1.call-start
scs
__scs_entry_jumppad:
0x0: {  	(pc) =	sbr.rel $0x88, $3  }
0x1: {  	(tag) =	ssettag $0x0;
	lr =	simm.s32 $0x1  }
0x2: {  	[smem:$0x3F9D] =	sst lr;
	_ =	strace $0xD0000000  }
0x3: {  	_ = 	snop  }
0x4: {  	_ = 	snop  }
0x5: {  	_ = 	snop  }
0x6: {  	_ = 	snop  }
0x7: {  	_ = 	snop  }
__scs_overlays_trampoline_lowered:
0x8: {  	[smem:$0x3FAC] =	sst s0  }
0x9: {  	[smem:$0x3FAD] =	sst s1  }
0xa: {  	[smem:$0x3FAE] =	sst s2  }
0xb: {  	[smem:$0x3FAF] =	sst s3  }
0xc: {  	[smem:$0x3FB0] =	sst s4  }
0xd: {  	[smem:$0x3FB1] =	sst s5  }
0xe: {  	[smem:$0x3FB2] =	sst s6  }
0xf: {  	[smem:$0x3FB3] =	sst s7  }
0x10: {  	[smem:$0x3FB4] =	sst s8  }
0x11: {  	[smem:$0x3FB5] =	sst s9;
	s0 =	simm.s32 @!p0 $0x0  }
0x12: {  	s1 =	sld [smem:$0x3F9B];
	s0 =	simm.s32 @p0 $0x1  }
0x13: {  	[smem:$0x3FB6] =	sst s0;
	s0 =	simm.s32 @!p1 $0x0  }
0x14: {  	s2 =	sld [smem:$0x3F9A];
	s0 =	simm.s32 @p1 $0x1  }
0x15: {  	[smem:$0x3FB7] =	sst s0;
	s0 =	simm.s32 @!p2 $0x0  }
0x16: {  	s3 =	sld [smem:$0x3FDB];
	s0 =	simm.s32 @p2 $0x1  }
0x17: {  	s4 =	simm.s32 $0x1BF5;
	[smem:$0x3FB9] =	sst s0  }
0x18: {  	s0 =	sld [smem:$0x3F9C];
	_ =	swait.ge [sflag:s4], $0x0  }
0x19: {  	s7 =	sld [smem:$0x3F9D]  }
0x1a: {  	s8 =	sadd.s32 $0xFFFFE003, lr  }
0x1b: {  	s9 =	sadd.s32 $0xFFFFFEF7, lr;
	s5 =	simm.s32 $0xFFFFFFFF;
	p2 =	slt.u32 s8, $0xFFFFF086  }
0x1c: {  	p1 =	slt.u32 s9, $0xF7A;
	s5 =	simm.s32 @!p2 $0x0  }
0x1d: {  	s5 =	simm.s32 @p1 $0x1;
	p0 =	seq.s32 s7, s2  }
0x1e: {  	s7 =	smul.u32 @!p0 $0xF7A, s2;
	p2 =	seq.s32 @!p0 s5, $0x0  }
0x1f: {  	s9 =	smul.u32 $0xF7A, s1;
	s8 =	simm.s32 @!p0 $0x1BF5;
	p2 =	por !p2, p0  }
0x20: {  	[sflag:s8] =	ssyncset.s32 @!p0 $0xFFFFF086;
	s6 =	sadd.s32 @!p0 s3, s7;
	s7 =	simm.s32 @!p0 $0x108  }
0x21: {  	s3 =	sadd.s32 s3, s9;
	s6 =	sadd.s32 @!p0 $0x88, s6;
	s7 =	simm.s32 @p2 $0x1082  }
0x22: {  	[simem:s7], [sflag:s8] =	dma.local @!p0 [hbm:s6], $0xF7A  }
0x23: {  	s9 =	sor.u32 $0xD0000000, s2;
	s6 =	simm.s32 $0x108;
	_ =	swait.ge @!p0 [sflag:s8], $0x0  }
0x24: {  	s3 =	sadd.s32 $0x88, s3;
	s6 =	simm.s32 @!p1 $0x1082;
	[sflag:s4] =	ssyncset.s32 $0xFFFFF086  }
0x25: {  	[simem:s6], [sflag:s4] =	dma.local [hbm:s3], $0xF7A  }
0x26: {  	[smem:$0x3F9D] =	sst s1;
	(tag) =	ssettag s2;
	_ =	strace s9  }
0x27: {  	s1 =	sld [smem:$0x3FAD]  }
0x28: {  	s2 =	sld [smem:$0x3FAE]  }
0x29: {  	s4 =	sld [smem:$0x3FB0]  }
0x2a: {  	p0 =	seq.s32 s5, $0x0;
	s5 =	sld [smem:$0x3FB1]  }
0x2b: {  	s6 =	sld [smem:$0x3FB2]  }
0x2c: {  	s7 =	sld [smem:$0x3FB3]  }
0x2d: {  	s3 =	simm.s32 $0x108;
	s8 =	sld [smem:$0x3FB4]  }
0x2e: {  	s3 =	simm.s32 @!p0 $0x1082;
	s9 =	sld [smem:$0x3FB5]  }
0x2f: {  	lr =	sadd.s32 s0, s3;
	s0 =	sld [smem:$0x3FAC]  }
0x30: {  	s3 =	sld [smem:$0x3FAF]  }
0x31: {  	[smem:$0x3FB8] =	sst s10  }
0x32: {  	s10 =	sld [smem:$0x3FB6];
	_ =	sdelay $0x3  }
0x33: {  	p0 =	seq.s32 s10, $0x1;
	s10 =	sld [smem:$0x3FB8];
	_ =	sdelay $0x3  }
0x34: {  	[smem:$0x3FB8] =	sst s10  }
0x35: {  	s10 =	sld [smem:$0x3FB7];
	_ =	sdelay $0x3  }
0x36: {  	p1 =	seq.s32 s10, $0x1;
	s10 =	sld [smem:$0x3FB8];
	_ =	sdelay $0x3  }
0x37: {  	[smem:$0x3FB8] =	sst s10  }
0x38: {  	s10 =	sld [smem:$0x3FB9]  }
0x39: {  	_ = 	snop;
	(pc) =	sbr.ind lr, $3  }
0x3a: {  	_ = 	snop  }
0x3b: {  	_ = 	snop  }
0x3c: {  	p2 =	seq.s32 s10, $0x1;
	s10 =	sld [smem:$0x3FB8]  }
0x3d: {  	_ =	shalt  }
0x3e: {  	_ =	shalt  }
0x3f: {  	_ =	shalt  }
0x40: {  	_ =	shalt  }
0x41: {  	_ =	shalt  }
0x42: {  	_ =	shalt  }
0x43: {  	_ =	shalt  }
0x44: {  	_ =	shalt  }
0x45: {  	_ =	shalt  }
0x46: {  	_ =	shalt  }
0x47: {  	_ =	shalt  }
0x48: {  	_ =	shalt  }
0x49: {  	_ =	shalt  }
0x4a: {  	_ =	shalt  }
0x4b: {  	_ =	shalt  }
0x4c: {  	_ =	shalt  }
0x4d: {  	_ =	shalt  }
0x4e: {  	_ =	shalt  }
0x4f: {  	_ =	shalt  }
0x50: {  	_ =	shalt  }
0x51: {  	_ =	shalt  }
0x52: {  	_ =	shalt  }
0x53: {  	_ =	shalt  }
0x54: {  	_ =	shalt  }
0x55: {  	_ =	shalt  }
0x56: {  	_ =	shalt  }
0x57: {  	_ =	shalt  }
0x58: {  	_ =	shalt  }
0x59: {  	_ =	shalt  }
0x5a: {  	_ =	shalt  }
0x5b: {  	_ =	shalt  }
0x5c: {  	_ =	shalt  }
0x5d: {  	_ =	shalt  }
0x5e: {  	_ =	shalt  }
0x5f: {  	_ =	shalt  }
0x60: {  	_ =	shalt  }
0x61: {  	_ =	shalt  }
0x62: {  	_ =	shalt  }
0x63: {  	_ =	shalt  }
0x64: {  	_ =	shalt  }
0x65: {  	_ =	shalt  }
0x66: {  	_ =	shalt  }
0x67: {  	_ =	shalt  }
0x68: {  	_ =	shalt  }
0x69: {  	_ =	shalt  }
0x6a: {  	_ =	shalt  }
0x6b: {  	_ =	shalt  }
0x6c: {  	_ =	shalt  }
0x6d: {  	_ =	shalt  }
0x6e: {  	_ =	shalt  }
0x6f: {  	_ =	shalt  }
0x70: {  	_ =	shalt  }
0x71: {  	_ =	shalt  }
0x72: {  	_ =	shalt  }
0x73: {  	_ =	shalt  }
0x74: {  	_ =	shalt  }
0x75: {  	_ =	shalt  }
0x76: {  	_ =	shalt  }
0x77: {  	_ =	shalt  }
0x78: {  	_ =	shalt  }
0x79: {  	_ =	shalt  }
0x7a: {  	_ =	shalt  }
0x7b: {  	_ =	shalt  }
0x7c: {  	_ =	shalt  }
0x7d: {  	_ =	shalt  }
0x7e: {  	_ =	shalt  }
0x7f: {  	_ =	shalt  }
0x80: {  	_ =	shalt  }
0x81: {  	_ =	shalt  }
0x82: {  	_ =	shalt  }
0x83: {  	_ =	shalt  }
0x84: {  	_ =	shalt  }
0x85: {  	_ =	shalt  }
0x86: {  	_ =	shalt  }
0x87: {  	_ =	shalt  }
.Lfunc_end0:
.L_simem_size_0:
called_computation_lowered:
.L_overlay_start_0:
0x88: {  	s2 =	sld [smem:$0x3FD9]  }
0x89: {  	s3 =	sld [smem:$0x3FFE];
	_ =	sdelay $0x1  }
0x8a: {  	s1 =	srdreg.scid  }
0x8b: {  	s0 =	sand.u32 $0x1, s1  }
0x8c: {  	s17 =	sshll.u32 s0, $0xA;
	s2 =	sadd.s32 s3, s2  }
0x8d: {  	s2 =	sadd.s32 s2, s17  }
0x8e: {  	[smem:$0x3FC4] =	sst s2  }
0x8f: {  	_ = 	snop  }
0x90: {  	s2 =	sld [smem:$0x3FC6];
	(tm) =	ssettm $0x1  }
0x91: {  	s18 =	sld [smem:$0x3FFB];
	_ =	sdelay $0x3  }
0x92: {  	_ =	strace s18  }
0x93: {  	s3 =	sld [smem:$0x3FFC];
	_ =	sdelay $0x3  }
0x94: {  	_ =	strace s3  }
0x95: {  	s3 =	sld [smem:$0x3FFD];
	_ =	sdelay $0x3  }
0x96: {  	_ =	strace s3  }
0x97: {  	_ =	strace $0x8FFFFFFF  }
0x98: {  	s19 =	sld [smem:$0x3FDB];
	_ =	sdelay $0x1  }
0x99: {  	s4 =	simm.s32 $_scs_section_size  }
0x9a: {  	s5 =	simm.s32 $_size__tile_overlayer_lowered;
	s6 =	simm.s32 $_tile_overlayer_lowered  }
0x9b: {  	s22 =	simm.s32 $0x1BFF;
	s21 =	sshll.u32 s6, $0x1;
	s3 =	sadd.s32 s4, s19  }
0x9c: {  	s7 =	simm.s32 $0x0;
	s20 =	sshll.u32 s5, $0x1;
	s5 =	sadd.s32 s21, s3  }
0x9d: {  	[timem:s7], [sflag:s22] =	dma.local [hbm:s5], s20  }
0x9e: {  	_ =	swait.ge [sflag:s22], s20  }
0x9f: {  	s4 =	ssub.s32 $0x0, s20;
	[sflag:s22] =	ssyncset.done $0x0  }
0xa0: {  	[sflag:s22] =	ssyncadd.s32 s4;
	_ =	sdelay $0x1  }
0xa1: {  	s23 =	simm.s32 $0x1B8B  }
0xa2: {  	_ =	swait.ge [sflag:s23], $0x1  }
0xa3: {  	[sflag:s23] =	ssyncset.done $0x0  }
0xa4: {  	s25 =	simm.s32 $0x1B8E;
	s24 =	sld [smem:$0x3FFE];
	[sflag:s23] =	ssyncadd.s32 $0xFFFFFFFF  }
0xa5: {  	s26 =	simm.s32 $execute0_lowered;
	[smem:$0x3FD2] =	sst s25  }
0xa6: {  	s5 =	sshll.u32 s26, $0x1;
	_ =	strace $0x80000046;
	[dreg:$0x1] =	wrdreg $0xFFFFFFFF  }
0xa7: {  	s28 =	simm.s32 $_size_execute0_lowered;
	s3 =	sadd.s32 s3, s5;
	[dreg:$0x0] =	wrdreg $0x0  }
0xa8: {  	s5 =	sshll.u32 s28, $0x1;
	[dreg:$0x2] =	wrdreg s3  }
0xa9: {  	[dreg:$0x3] =	wrdreg s5  }
0xaa: {  	[dreg:$0x4] =	wrdreg $0xC0  }
0xab: {  	_ =	task [dreg:s7], $0x5FFFF  }
0xac: {  	[dreg:$0x1] =	wrdreg $0xFFFFFFFF  }
0xad: {  	[dreg:$0x0] =	wrdreg $0x60  }
0xae: {  	[dreg:$0x2] =	wrdreg s24  }
0xaf: {  	[dreg:$0x3] =	wrdreg s2  }
0xb0: {  	[dreg:$0x4] =	wrdreg $0x9  }
0xb1: {  	_ =	task.clear_ibuf [dreg:s7], $0x5FFFF;
	_ =	strace $0x90000046  }
0xb2: {  	s29 =	simm.s32 $0x9;
	_ =	strace $0x80000048  }
0xb3: {  	_ =	swait.ge [sflag:s29], $0x1  }
0xb4: {  	[sflag:s29] =	ssyncadd.s32 $0xFFFFFFFF  }
0xb5: {  	_ =	strace $0x90000048  }
0xb6: {  	_ =	sfence  }
0xb7: {  	s30 =	sld [smem:$0x0];
	_ =	sdelay $0x2  }
0xb8: {  	s31 =	sshll.u32 s1, $0xD;
	s1 =	sshrl.u32 s1, $0x2  }
0xb9: {  	s3 =	sand.u32 $0x4000, s31;
	s1 =	sadd.s32 s1, s30  }
0xba: {  	s0 =	sor.u32 s3, s0;
	s1 =	sshll.u32 s1, $0x11  }
0xbb: {  	s0 =	sor.u32 s1, s0  }
0xbc: {  	s0 =	sadd.s32 $0x8F2B, s0  }
0xbd: {  	[sflag:s0] =	ssyncadd.remote.s32 $0x1  }
0xbe: {  	_ =	sfence.sel $0xFFFF  }
0xbf: {  	[dreg:$0x0] =	wrdreg $0xFFFFFFFF;
	(pc) =	sbr.abs _section_cstart, $3  }
0xc0: {  	[dreg:$0x1] =	wrdreg $0xFFFFFFFF  }
0xc1: {  	_ =	task.clear_ibuf [dreg:s7], $0x2FFFF;
	_ =	strace $0x9FFFFFFF  }
0xc2: {  	(tm) =	ssettm $0x7FFFFFFF  }
0xc3: {  	_ =	shalt  }
tec
execute0_lowered:
.L_overlay_start_1:
0x0: {  	(tag) =	ssettag $0x1  }
0x1: {  	s4 =	rddreg [dreg:$0x0]  }
0x2: {  	s1 =	srdreg.scid;
	s0 =	stileid.u32  }
0x3: {  	s6 =	rddreg [dreg:$0x1];
	s2 =	simm.s32 $0x0;
	s12 =	simm.s32 $0x7680  }
0x4: {  	s13 =	simm.s32 $0xC680;
	s14 =	simm.s32 $0x1;
	s15 =	simm.s32 $0x50  }
0x5: {  	s16 =	simm.s32 $0x9E80;
	s17 =	simm.s32 $0xEE80;
	s18 =	simm.s32 $0x2  }
0x6: {  	s19 =	simm.s32 $0x80;
	s20 =	simm.s32 $0x400;
	s21 =	simm.s32 $0x11680  }
0x7: {  	s22 =	simm.s32 $0x0;
	s5 =	sand.u32 $0x1, s1;
	s1 =	rddreg [dreg:$0x2]  }
0x8: {  	s3 =	sshll.u32 s0, $0x1;
	[smem:$0x7FF] =	sst s2;
	s10 =	sshll.u32 s0, $0x6  }
0x9: {  	s7 =	sor.u32 s5, s3;
	_ =	strace $0x80000047;
	s3 =	sadd.s32 $0x400, s4  }
0xa: {  	s10 =	sand.u32 $0x300, s10;
	s5 =	ssub.s32 $0x2, s5;
	s8 =	smul.u32 $0x4E2, s7  }
0xb: {  	s7 =	sshll.u32 s7, $0x4;
	s10 =	sadd.s32 s10, s4;
	s31 =	sshrl.u32 s5, $0x1  }
0xc: {  	s7 =	sand.u32 $0x70, s7;
	s11 =	ssub.s32 s5, s31;
	s9 =	sadd.s32 s8, s4  }
0xd: {  	s7 =	sadd.s32 s7, s10;
	s6 =	sadd.s32 s6, s8;
	s8 =	smax.u32 s11, $0x1  }
0xe: {  	s10 =	simm.s32 $0x2780;
	s11 =	simm.s32 $0x4F00;
	s4 =	sadd.s32 $0x31400, s9  }
0xf: {  	s5 =	sadd.s32 $0x27600, s9;
	s7 =	sadd.s32 $0x3B200, s7;
	s9 =	simm.s32 $0x3  }
.LBB2_1:
0x10: {  	[tilespmem:s2], [sflag:$0x3] =	stream.linear.gather [hbm4b:s4+s2], $0x2710, $0x38;
	[tilespmem:$0x11780] =	vst v63  }
0x11: {  	_ =	swait.ge [sflag:s9], $0x2710  }
0x12: {  	[sflag:s9] =	ssyncset.done $0x0  }
0x13: {  	[sflag:s9] =	ssyncadd.s32 $0xFFFFD8F0  }
0x14: {  	[tilespmem:s10], [sflag:$0x3] =	stream.linear.gather [hbm4b:s5+s2], $0x2710, $0x38;
	[tilespmem:$0x11780] =	vst v63  }
0x15: {  	_ =	swait.ge [sflag:s9], $0x2710  }
0x16: {  	[sflag:s9] =	ssyncset.done $0x0  }
0x17: {  	[sflag:s9] =	ssyncadd.s32 $0xFFFFD8F0  }
0x18: {  	[tilespmem:s11], [sflag:$0x3] =	stream.linear.gather [hbm4b:s6+s2], $0x2710, $0x38;
	[tilespmem:$0x11780] =	vst v63  }
0x19: {  	v11 =	vimm.f32 $0.0e+00;
	_ =	swait.ge [sflag:s9], $0x2710  }
0x1a: {  	v4 =	vimm.f32 $0.0e+00;
	v14 =	vimm.f32 $0.0e+00;
	v0 =	vimm.f32 $0.0e+00;
	[sflag:s9] =	ssyncset.done $0x0  }
0x1b: {  	v1 =	vimm.f32 $0.0e+00;
	v8 =	vimm.f32 $0.0e+00;
	v2 =	vimm.f32 $0.0e+00;
	[sflag:s9] =	ssyncadd.s32 $0xFFFFD8F0  }
0x1c: {  	v9 =	vimm.f32 $0.0e+00;
	v6 =	vimm.f32 $0.0e+00;
	v3 =	vimm.f32 $0.0e+00;
	[tilespmem:s12], [sflag:$0x1] =	stream.indirect.gather [hbm4b:s3+s15], $0x80, s2, s15, $0xb8;
	[tilespmem:$0x11780] =	vst v63  }
0x1d: {  	v7 =	vimm.f32 $0.0e+00;
	v15 =	vimm.f32 $0.0e+00;
	v13 =	vimm.f32 $0.0e+00;
	s23 =	simm.s32 $0x50;
	s24 =	simm.s32 $0x0;
	s25 =	simm.s32 $0x0  }
0x1e: {  	v12 =	vimm.f32 $0.0e+00;
	v5 =	vimm.f32 $0.0e+00;
	v10 =	vimm.f32 $0.0e+00;
	[tilespmem:s13], [sflag:$0x1] =	stream.indirect.gather [hbm4b:s3+s15], $0x80, s10, s15, $0xb8;
	[tilespmem:$0x11780] =	vst v63  }
.LBB2_2:
0x1f: {  	_ =	swait.ge [sflag:s14], $0x2800  }
0x20: {  	[sflag:s14] =	ssyncset.done $0x0  }
0x21: {  	[sflag:s14] =	ssyncadd.s32 $0xFFFFD800  }
0x22: {  	s26 =	smul.u32 $0xA0, s25;
	_ =	swait.ge [sflag:s14], $0x2800  }
0x23: {  	[sflag:s14] =	ssyncset.done $0x0  }
0x24: {  	s28 =	sadd.s32 $0x50, s26;
	[sflag:s14] =	ssyncadd.s32 $0xFFFFD800  }
0x25: {  	[tilespmem:s16], [sflag:$0x2] =	stream.indirect.gather [hbm4b:s3+s15], $0x80, s28, s15, $0xb8;
	[tilespmem:$0x11780] =	vst v63  }
0x26: {  	s29 =	simm.s32 $0x0;
	s28 =	sadd.s32 $0x27D0, s26  }
0x27: {  	[tilespmem:s17], [sflag:$0x2] =	stream.indirect.gather [hbm4b:s3+s15], $0x80, s28, s15, $0xb8;
	[tilespmem:$0x11780] =	vst v63  }
0x28: {  	v16 =	vld [tilespmem:s29+$0xC6B0]  }
0x29: {  	v17 =	vld [tilespmem:s29+$0x76B0]  }
0x2a: {  	v18 =	vld [tilespmem:s29+$0xC6F0]  }
0x2b: {  	v21 =	vld [tilespmem:s29+$0x76F0]  }
0x2c: {  	v22 =	vld [tilespmem:s29+$0xC690]  }
0x2d: {  	v19 =	vld [tilespmem:s29+$0xC740]  }
0x2e: {  	v20 =	vld [tilespmem:s29+$0x7730]  }
0x2f: {  	v23 =	vld [tilespmem:s29+$0x7710]  }
0x30: {  	v24 =	vld [tilespmem:s29+$0xC680]  }
0x31: {  	v26 =	vld [tilespmem:s29+$0x7680]  }
0x32: {  	v27 =	vld [tilespmem:s29+$0x7700]  }
0x33: {  	v29 =	vld [tilespmem:s29+$0x7740]  }
0x34: {  	v30 =	vld [tilespmem:s29+$0xC6D0]  }
0x35: {  	v31 =	vld [tilespmem:s29+$0xC6A0]  }
0x36: {  	v32 =	vld [tilespmem:s29+$0xC720]  }
0x37: {  	v33 =	vld [tilespmem:s29+$0xC730]  }
0x38: {  	v36 =	vmov s24;
	v34 =	vld [tilespmem:s29+$0x76A0]  }
0x39: {  	v36 =	vand.u32 $0xFFFFFFFE, v36;
	v35 =	vld [tilespmem:s29+$0xC6C0]  }
0x3a: {  	v36 =	vbroadcast v36, $0x0;
	v37 =	vld [tilespmem:s29+$0x76C0]  }
0x3b: {  	v38 =	vld [tilespmem:s29+$0xC6E0]  }
0x3c: {  	v40 =	vld [tilespmem:s29+$0x76E0]  }
0x3d: {  	v41 =	vld [tilespmem:s29+$0xC710]  }
0x3e: {  	s28 =	sadd.s32 $0x1, s24;
	v42 =	vld [tilespmem:s29+$0x76D0]  }
0x3f: {  	v28 =	vmov s28;
	v43 =	vld [tilespmem:s29+$0xC700]  }
0x40: {  	v56 =	vld.idx.msk [tilespmem:v36+s11+$0x0], $0xffff  }
0x41: {  	v57 =	vld [tilespmem:s29+$0x7720]  }
0x42: {  	v58 =	vld [tilespmem:s29+$0x7690]  }
0x43: {  	v61 =	vld [tilespmem:s29+$0xC770]  }
0x44: {  	v39 =	vld.idx.msk [tilespmem:v28+s11+$0x0], $0xffff;
	v28 =	vmul.bf16 v24, v26;
	v20 =	vmul.bf16 v33, v20  }
0x45: {  	v63 =	vld [tilespmem:s29+$0x7770];
	v29 =	vmul.bf16 v19, v29;
	v38 =	vmul.bf16 v38, v40  }
0x46: {  	v25 =	vld [tilespmem:s29+$0xC760];
	v24 =	vmul.bf16 v35, v37;
	v23 =	vmul.bf16 v41, v23  }
0x47: {  	v26 =	vld [tilespmem:s29+$0x7760];
	v31 =	vmul.bf16 v31, v34;
	v59 =	vmul.bf16 v30, v42  }
0x48: {  	v60 =	vmul.bf16 v18, v21;
	v21 =	vmul.bf16 v43, v27  }
0x49: {  	v62 =	vmul.bf16 v16, v17;
	v30 =	vmul.bf16 v32, v57  }
0x4a: {  	v33 =	vpack.i.f32.bf16 v56, v56;
	v34 =	vmul.bf16 v22, v58;
	v37 =	vmul.bf16 v61, v63  }
0x4b: {  	v35 =	vmul.bf16 v31, v33;
	v22 =	vmul.bf16 v38, v33  }
0x4c: {  	v36 =	vmul.bf16 v60, v33;
	v18 =	vmul.bf16 v25, v26  }
0x4d: {  	v19 =	vpack.i.f32.bf16 v39, v39;
	v26 =	vmul.bf16 v59, v33;
	v25 =	vmul.bf16 v62, v33  }
0x4e: {  	v29 =	vmul.bf16 v29, v19;
	v20 =	vmul.bf16 v20, v19  }
0x4f: {  	v27 =	vld [tilespmem:s29+$0xC750];
	v32 =	vunpack.i.l.bf16.f32 v35;
	v23 =	vmul.bf16 v23, v19;
	v18 =	vmul.bf16 v18, v19  }
0x50: {  	s28 =	simm.s32 $0x400;
	v31 =	vunpack.i.u.bf16.f32 v26;
	v16 =	vunpack.i.u.bf16.f32 v29;
	v17 =	vunpack.i.l.bf16.f32 v29;
	v29 =	vld [tilespmem:s29+$0x7750];
	s29 =	sadd.s32 $0x2, s24  }
.LBB2_3:
0x51: {  	s30 =	sadd.s32 $0x1, s29  }
0x52: {  	p0 =	sne.s32 s28, $0x9C00;
	v28 =	vmul.bf16 v28, v33;
	v34 =	vmul.bf16 v34, v33;
	v35 =	vunpack.i.u.bf16.f32 v35;
	s31 =	smov.u32 s28;
	s28 =	sadd.s32 $0x400, s28  }
0x53: {  	v38 =	vmov s30;
	v39 =	vunpack.i.u.bf16.f32 v36;
	v37 =	vmul.bf16 v37, v19  }
0x54: {  	v36 =	vunpack.i.l.bf16.f32 v36;
	v40 =	vunpack.i.l.bf16.f32 v28;
	v41 =	vunpack.i.l.bf16.f32 v34  }
0x55: {  	v7 =	vadd.f32 v35, v7;
	v35 =	vmul.bf16 v30, v19;
	v12 =	vadd.f32 v41, v12  }
0x56: {  	v15 =	vadd.f32 v32, v15;
	v30 =	vunpack.i.l.bf16.f32 v23;
	v4 =	vadd.f32 v36, v4  }
0x57: {  	s30 =	sshra.s32 s31, $0x2;
	v36 =	vunpack.i.u.bf16.f32 v22;
	v32 =	vunpack.i.u.bf16.f32 v35;
	v12 =	vadd.f32 v30, v12  }
0x58: {  	v35 =	vunpack.i.l.bf16.f32 v35;
	v41 =	vunpack.i.u.bf16.f32 v18;
	v7 =	vadd.f32 v32, v7;
	v30 =	vld [tilespmem:s30+$0xC6B0]  }
0x59: {  	v42 =	vunpack.i.u.bf16.f32 v25;
	v27 =	vmul.bf16 v27, v29;
	v14 =	vadd.f32 v36, v14;
	v32 =	vld [tilespmem:s30+$0x76B0]  }
0x5a: {  	v24 =	vmul.bf16 v24, v33;
	v6 =	vadd.f32 v42, v6;
	v11 =	vadd.f32 v39, v11;
	v36 =	vld [tilespmem:s30+$0xC6F0]  }
0x5b: {  	v29 =	vunpack.i.u.bf16.f32 v20;
	v27 =	vmul.bf16 v27, v19;
	v39 =	vunpack.i.u.bf16.f32 v37;
	v33 =	vld [tilespmem:s30+$0x76F0]  }
0x5c: {  	v6 =	vadd.f32 v29, v6;
	v29 =	vunpack.i.l.bf16.f32 v37;
	v11 =	vadd.f32 v39, v11;
	v42 =	vld [tilespmem:s30+$0xC690]  }
0x5d: {  	v1 =	vadd.f32 v31, v1;
	v34 =	vunpack.i.u.bf16.f32 v34;
	v4 =	vadd.f32 v29, v4;
	v37 =	vld [tilespmem:s30+$0xC740]  }
0x5e: {  	v26 =	vunpack.i.l.bf16.f32 v26;
	v13 =	vadd.f32 v34, v13;
	v31 =	vunpack.i.u.bf16.f32 v27;
	v29 =	vld [tilespmem:s30+$0x7730]  }
0x5f: {  	v8 =	vadd.f32 v26, v8;
	v23 =	vunpack.i.u.bf16.f32 v23;
	v1 =	vadd.f32 v31, v1;
	v34 =	vld [tilespmem:s30+$0x7710]  }
0x60: {  	v25 =	vunpack.i.l.bf16.f32 v25;
	v13 =	vadd.f32 v23, v13;
	v23 =	vunpack.i.l.bf16.f32 v27;
	v26 =	vld [tilespmem:s30+$0xC760]  }
0x61: {  	v3 =	vadd.f32 v25, v3;
	v25 =	vunpack.i.u.bf16.f32 v24;
	v8 =	vadd.f32 v23, v8;
	v27 =	vld [tilespmem:s30+$0xC680]  }
0x62: {  	v20 =	vunpack.i.l.bf16.f32 v20;
	v24 =	vunpack.i.l.bf16.f32 v24;
	v19 =	vmul.bf16 v21, v19;
	v23 =	vld [tilespmem:s30+$0x7680]  }
0x63: {  	v22 =	vunpack.i.l.bf16.f32 v22;
	v10 =	vadd.f32 v40, v10;
	v3 =	vadd.f32 v20, v3;
	v21 =	vld [tilespmem:s30+$0x7700]  }
0x64: {  	v28 =	vunpack.i.u.bf16.f32 v28;
	v0 =	vadd.f32 v22, v0;
	v22 =	vunpack.i.l.bf16.f32 v19;
	v20 =	vld [tilespmem:s30+$0x7740]  }
0x65: {  	v5 =	vadd.f32 v28, v5;
	v18 =	vunpack.i.l.bf16.f32 v18;
	v10 =	vadd.f32 v22, v10;
	v31 =	vld [tilespmem:s30+$0xC6D0]  }
0x66: {  	v9 =	vadd.f32 v24, v9;
	v19 =	vunpack.i.u.bf16.f32 v19;
	v0 =	vadd.f32 v18, v0;
	v22 =	vld [tilespmem:s30+$0xC6A0]  }
0x67: {  	v2 =	vadd.f32 v25, v2;
	v5 =	vadd.f32 v19, v5;
	v28 =	vmul.bf16 v27, v23;
	v18 =	vld [tilespmem:s30+$0xC720]  }
0x68: {  	v15 =	vadd.f32 v35, v15;
	v9 =	vadd.f32 v17, v9;
	v19 =	vld [tilespmem:s30+$0xC730]  }
0x69: {  	v2 =	vadd.f32 v16, v2;
	v14 =	vadd.f32 v41, v14;
	v17 =	vld [tilespmem:s30+$0x76A0]  }
0x6a: {  	v16 =	vld [tilespmem:s30+$0x76D0]  }
0x6b: {  	v23 =	vld [tilespmem:s30+$0xC6C0]  }
0x6c: {  	v24 =	vmov s29;
	v25 =	vld [tilespmem:s30+$0x76C0]  }
0x6d: {  	v24 =	vand.u32 $0xFFFFFFFE, v24;
	v35 =	vld [tilespmem:s30+$0xC6E0]  }
0x6e: {  	v24 =	vbroadcast v24, $0x0;
	v38 =	vld.idx.msk [tilespmem:v38+s11+$0x0], $0xffff  }
0x6f: {  	v39 =	vld [tilespmem:s30+$0x76E0]  }
0x70: {  	v27 =	vld [tilespmem:s30+$0xC750]  }
0x71: {  	v41 =	vmul.bf16 v19, v29;
	v40 =	vld [tilespmem:s30+$0xC710]  }
0x72: {  	v20 =	vmul.bf16 v37, v20;
	v29 =	vld [tilespmem:s30+$0x7750]  }
0x73: {  	v37 =	vld [tilespmem:s30+$0xC700]  }
0x74: {  	v39 =	vmul.bf16 v35, v39;
	v35 =	vld [tilespmem:s30+$0x7760]  }
0x75: {  	v19 =	vpack.i.f32.bf16 v38, v38;
	v43 =	vld.idx.msk [tilespmem:v24+s11+$0x0], $0xffff;
	v24 =	vmul.bf16 v23, v25  }
0x76: {  	v23 =	vmul.bf16 v40, v34;
	v25 =	vld [tilespmem:s30+$0x7720]  }
0x77: {  	v17 =	vmul.bf16 v22, v17;
	v22 =	vmul.bf16 v20, v19;
	v34 =	vld [tilespmem:s30+$0x7690]  }
0x78: {  	v16 =	vmul.bf16 v31, v16;
	v20 =	vmul.bf16 v41, v19  }
0x79: {  	v36 =	vmul.bf16 v36, v33;
	v21 =	vmul.bf16 v37, v21;
	v37 =	vld [tilespmem:s30+$0xC770]  }
0x7a: {  	v31 =	vmul.bf16 v30, v32;
	v23 =	vmul.bf16 v23, v19;
	v38 =	vld [tilespmem:s30+$0x7770]  }
.Ltmp0:
0x7b: {  	v33 =	vpack.i.f32.bf16 v43, v43;
	v30 =	vmul.bf16 v18, v25;
	v18 =	vmul.bf16 v26, v35;
	(pc) =	sbr.rel @p0 .LBB2_3-.Ltmp0, $4  }
0x7c: {  	v26 =	vmul.bf16 v16, v33;
	v16 =	vunpack.i.u.bf16.f32 v22;
	v34 =	vmul.bf16 v42, v34  }
0x7d: {  	v35 =	vmul.bf16 v17, v33;
	v17 =	vunpack.i.l.bf16.f32 v22;
	v18 =	vmul.bf16 v18, v19  }
0x7e: {  	v25 =	vmul.bf16 v31, v33;
	v22 =	vmul.bf16 v39, v33;
	v31 =	vunpack.i.u.bf16.f32 v26  }
0x7f: {  	s29 =	sadd.s32 $0x2, s29;
	v36 =	vmul.bf16 v36, v33;
	v32 =	vunpack.i.l.bf16.f32 v35;
	v37 =	vmul.bf16 v37, v38  }
0x80: {  	_ =	swait.ge [sflag:s18], $0x2800  }
0x81: {  	[sflag:s18] =	ssyncset.done $0x0  }
0x82: {  	[sflag:s18] =	ssyncadd.s32 $0xFFFFD800  }
0x83: {  	_ =	swait.ge [sflag:s18], $0x2800  }
0x84: {  	[sflag:s18] =	ssyncset.done $0x0  }
0x85: {  	s28 =	sadd.s32 $0xA0, s26;
	[sflag:s18] =	ssyncadd.s32 $0xFFFFD800  }
0x86: {  	[tilespmem:s12], [sflag:$0x1] =	stream.indirect.gather [hbm4b:s3+s15], $0x80, s28, s15, $0xb8;
	[tilespmem:$0x11780] =	vst v63  }
0x87: {  	s30 =	sadd.s32 $0x2820, s26;
	s28 =	simm.s32 $0x0  }
0x88: {  	[tilespmem:s13], [sflag:$0x1] =	stream.indirect.gather [hbm4b:s3+s15], $0x80, s30, s15, $0xb8;
	[tilespmem:$0x11780] =	vst v63  }
0x89: {  	v38 =	vld [tilespmem:s28+$0xEEB0]  }
0x8a: {  	v39 =	vld [tilespmem:s28+$0x9EB0]  }
0x8b: {  	v40 =	vld [tilespmem:s28+$0xEEF0]  }
0x8c: {  	v41 =	vld [tilespmem:s28+$0x9EF0]  }
0x8d: {  	v43 =	vld [tilespmem:s28+$0xEE90]  }
0x8e: {  	v35 =	vunpack.i.u.bf16.f32 v35;
	v45 =	vld [tilespmem:s28+$0xEF40]  }
0x8f: {  	v34 =	vmul.bf16 v34, v33;
	v28 =	vmul.bf16 v28, v33;
	v7 =	vadd.f32 v35, v7;
	v35 =	vld [tilespmem:s28+$0x9F30]  }
0x90: {  	v30 =	vmul.bf16 v30, v19;
	v15 =	vadd.f32 v32, v15;
	v61 =	vunpack.i.u.bf16.f32 v22;
	v60 =	vld [tilespmem:s28+$0x9F10]  }
0x91: {  	v27 =	vmul.bf16 v27, v29;
	v1 =	vadd.f32 v31, v1;
	v44 =	vunpack.i.l.bf16.f32 v34;
	v46 =	vld [tilespmem:s28+$0xEF60]  }
0x92: {  	v24 =	vmul.bf16 v24, v33;
	v12 =	vadd.f32 v44, v12;
	v44 =	vadd.f32 v61, v14;
	v14 =	vld [tilespmem:s28+$0xEE80]  }
0x93: {  	v26 =	vunpack.i.l.bf16.f32 v26;
	v22 =	vunpack.i.l.bf16.f32 v22;
	v42 =	vunpack.i.u.bf16.f32 v36;
	v29 =	vld [tilespmem:s28+$0x9E80]  }
0x94: {  	v37 =	vmul.bf16 v37, v19;
	v58 =	vunpack.i.l.bf16.f32 v36;
	v26 =	vadd.f32 v26, v8;
	v62 =	vld [tilespmem:s28+$0x9F00]  }
0x95: {  	v8 =	vunpack.i.u.bf16.f32 v23;
	v22 =	vadd.f32 v22, v0;
	v59 =	vadd.f32 v58, v4;
	v48 =	vld [tilespmem:s28+$0x9F40]  }
0x96: {  	s31 =	sadd.s32 $0x1, s23;
	v4 =	vunpack.i.l.bf16.f32 v23;
	v27 =	vmul.bf16 v27, v19;
	v34 =	vunpack.i.u.bf16.f32 v34;
	v52 =	vld [tilespmem:s28+$0xEED0]  }
0x97: {  	v47 =	vunpack.i.l.bf16.f32 v28;
	v23 =	vmov s31;
	v13 =	vadd.f32 v34, v13;
	v31 =	vld [tilespmem:s28+$0xEEA0]  }
0x98: {  	v53 =	vunpack.i.u.bf16.f32 v27;
	v4 =	vadd.f32 v4, v12;
	v12 =	vunpack.i.u.bf16.f32 v30;
	v54 =	vld [tilespmem:s28+$0xEF20]  }
0x99: {  	v8 =	vadd.f32 v8, v13;
	v7 =	vadd.f32 v12, v7;
	v12 =	vunpack.i.u.bf16.f32 v25;
	v55 =	vld [tilespmem:s28+$0xEF30]  }
0x9a: {  	v13 =	vunpack.i.l.bf16.f32 v27;
	v25 =	vunpack.i.l.bf16.f32 v25;
	v6 =	vadd.f32 v12, v6;
	v27 =	vld [tilespmem:s28+$0x9EA0]  }
0x9b: {  	v25 =	vadd.f32 v25, v3;
	v3 =	vadd.f32 v13, v26;
	v13 =	vmul.bf16 v21, v19;
	v19 =	vld [tilespmem:s28+$0xEEC0]  }
0x9c: {  	v12 =	vunpack.i.u.bf16.f32 v20;
	v20 =	vunpack.i.l.bf16.f32 v20;
	v26 =	vmov s23;
	v56 =	vld [tilespmem:s28+$0x9EC0]  }
0x9d: {  	v21 =	vadd.f32 v47, v10;
	v10 =	vadd.f32 v20, v25;
	v20 =	vand.u32 $0xFFFFFFFE, v26;
	v26 =	vld [tilespmem:s28+$0xEEE0]  }
0x9e: {  	v11 =	vadd.f32 v42, v11;
	v57 =	vunpack.i.l.bf16.f32 v24;
	v24 =	vunpack.i.u.bf16.f32 v24;
	v23 =	vld.idx.msk [tilespmem:v23+s11+$0x0], $0xffff  }
0x9f: {  	v63 =	vunpack.i.u.bf16.f32 v37;
	v9 =	vadd.f32 v57, v9;
	v25 =	vunpack.i.u.bf16.f32 v28;
	v28 =	vld [tilespmem:s28+$0x9EE0]  }
0xa0: {  	v58 =	vadd.f32 v24, v2;
	v11 =	vadd.f32 v63, v11;
	v49 =	vld [tilespmem:s28+$0xEF00]  }
0xa1: {  	v6 =	vadd.f32 v12, v6;
	v0 =	vunpack.i.l.bf16.f32 v13;
	v63 =	vld [tilespmem:s28+$0x9F70];
	v20 =	vbroadcast v20, $0x0  }
0xa2: {  	v25 =	vadd.f32 v25, v5;
	v0 =	vadd.f32 v0, v21;
	v5 =	vunpack.i.l.bf16.f32 v18;
	v21 =	vld [tilespmem:s28+$0xEF10]  }
0xa3: {  	v12 =	vunpack.i.l.bf16.f32 v37;
	v13 =	vunpack.i.u.bf16.f32 v13;
	v5 =	vadd.f32 v5, v22;
	v22 =	vld [tilespmem:s28+$0x9ED0]  }
0xa4: {  	v2 =	vadd.f32 v13, v25;
	v13 =	vunpack.i.l.bf16.f32 v30;
	v30 =	vld [tilespmem:s28+$0x9F60];
	v25 =	vmul.bf16 v14, v29  }
0xa5: {  	v12 =	vadd.f32 v12, v59;
	v29 =	vmul.bf16 v55, v35;
	v59 =	vmul.bf16 v26, v28;
	v28 =	vld [tilespmem:s28+$0x9F20]  }
0xa6: {  	v1 =	vadd.f32 v53, v1;
	v14 =	vmul.bf16 v45, v48;
	v27 =	vmul.bf16 v31, v27;
	v31 =	vld [tilespmem:s28+$0x9E90]  }
0xa7: {  	v13 =	vadd.f32 v13, v15;
	v24 =	vmul.bf16 v19, v56;
	v61 =	vmul.bf16 v40, v41;
	v26 =	vld.idx.msk [tilespmem:v20+s11+$0x0], $0xffff  }
0xa8: {  	v15 =	vpack.i.f32.bf16 v23, v23;
	v19 =	vmul.bf16 v21, v60;
	v20 =	vmul.bf16 v49, v62;
	v62 =	vld [tilespmem:s28+$0xEF70]  }
0xa9: {  	v60 =	vmul.bf16 v14, v15;
	v14 =	vadd.f32 v17, v9;
	v17 =	vmul.bf16 v52, v22  }
0xaa: {  	v21 =	vunpack.i.u.bf16.f32 v18;
	v23 =	vmul.bf16 v19, v15;
	v19 =	vmul.bf16 v46, v30  }
0xab: {  	v18 =	vmul.bf16 v29, v15;
	v9 =	vadd.f32 v16, v58;
	v22 =	vmul.bf16 v38, v39  }
0xac: {  	v21 =	vadd.f32 v21, v44;
	v34 =	vmul.bf16 v43, v31;
	v19 =	vmul.bf16 v19, v15  }
0xad: {  	v32 =	vpack.i.f32.bf16 v26, v26;
	v26 =	vmul.bf16 v54, v28;
	v37 =	vmul.bf16 v62, v63  }
0xae: {  	v16 =	vunpack.i.u.bf16.f32 v60;
	v28 =	vmul.bf16 v17, v32;
	v35 =	vmul.bf16 v27, v32  }
0xaf: {  	v30 =	vld [tilespmem:s28+$0xEF50];
	v17 =	vunpack.i.l.bf16.f32 v60;
	v27 =	vmul.bf16 v22, v32;
	v22 =	vmul.bf16 v59, v32  }
0xb0: {  	s26 =	simm.s32 $0x400;
	v31 =	vld [tilespmem:s28+$0x9F50];
	s28 =	sadd.s32 $0x2, s23;
	v36 =	vmul.bf16 v61, v32;
	v33 =	vunpack.i.u.bf16.f32 v28;
	v29 =	vunpack.i.l.bf16.f32 v35  }
.LBB2_5:
0xb1: {  	s29 =	sadd.s32 $0x1, s28  }
0xb2: {  	p0 =	sne.s32 s26, $0x9C00;
	v25 =	vmul.bf16 v25, v32;
	v34 =	vmul.bf16 v34, v32;
	v35 =	vunpack.i.u.bf16.f32 v35;
	s30 =	smov.u32 s26;
	s26 =	sadd.s32 $0x400, s26  }
0xb3: {  	v38 =	vmov s29;
	v39 =	vunpack.i.u.bf16.f32 v36;
	v37 =	vmul.bf16 v37, v15  }
0xb4: {  	v36 =	vunpack.i.l.bf16.f32 v36;
	v40 =	vunpack.i.l.bf16.f32 v25;
	v41 =	vunpack.i.l.bf16.f32 v34  }
0xb5: {  	v7 =	vadd.f32 v35, v7;
	v35 =	vmul.bf16 v26, v15;
	v4 =	vadd.f32 v41, v4  }
0xb6: {  	v13 =	vadd.f32 v29, v13;
	v26 =	vunpack.i.l.bf16.f32 v23;
	v12 =	vadd.f32 v36, v12  }
0xb7: {  	s29 =	sshra.s32 s30, $0x2;
	v36 =	vunpack.i.u.bf16.f32 v22;
	v29 =	vunpack.i.u.bf16.f32 v35;
	v4 =	vadd.f32 v26, v4  }
0xb8: {  	v35 =	vunpack.i.l.bf16.f32 v35;
	v41 =	vunpack.i.u.bf16.f32 v19;
	v7 =	vadd.f32 v29, v7;
	v26 =	vld [tilespmem:s29+$0xEEB0]  }
0xb9: {  	v42 =	vunpack.i.u.bf16.f32 v27;
	v30 =	vmul.bf16 v30, v31;
	v21 =	vadd.f32 v36, v21;
	v29 =	vld [tilespmem:s29+$0x9EB0]  }
0xba: {  	v24 =	vmul.bf16 v24, v32;
	v6 =	vadd.f32 v42, v6;
	v11 =	vadd.f32 v39, v11;
	v36 =	vld [tilespmem:s29+$0xEEF0]  }
0xbb: {  	v31 =	vunpack.i.u.bf16.f32 v18;
	v30 =	vmul.bf16 v30, v15;
	v39 =	vunpack.i.u.bf16.f32 v37;
	v32 =	vld [tilespmem:s29+$0x9EF0]  }
0xbc: {  	v6 =	vadd.f32 v31, v6;
	v31 =	vunpack.i.l.bf16.f32 v37;
	v11 =	vadd.f32 v39, v11;
	v42 =	vld [tilespmem:s29+$0xEE90]  }
0xbd: {  	v1 =	vadd.f32 v33, v1;
	v34 =	vunpack.i.u.bf16.f32 v34;
	v12 =	vadd.f32 v31, v12;
	v37 =	vld [tilespmem:s29+$0xEF40]  }
0xbe: {  	v28 =	vunpack.i.l.bf16.f32 v28;
	v8 =	vadd.f32 v34, v8;
	v33 =	vunpack.i.u.bf16.f32 v30;
	v31 =	vld [tilespmem:s29+$0x9F30]  }
0xbf: {  	v3 =	vadd.f32 v28, v3;
	v23 =	vunpack.i.u.bf16.f32 v23;
	v1 =	vadd.f32 v33, v1;
	v34 =	vld [tilespmem:s29+$0x9F10]  }
0xc0: {  	v27 =	vunpack.i.l.bf16.f32 v27;
	v8 =	vadd.f32 v23, v8;
	v23 =	vunpack.i.l.bf16.f32 v30;
	v28 =	vld [tilespmem:s29+$0xEF60]  }
0xc1: {  	v10 =	vadd.f32 v27, v10;
	v27 =	vunpack.i.u.bf16.f32 v24;
	v3 =	vadd.f32 v23, v3;
	v30 =	vld [tilespmem:s29+$0xEE80]  }
0xc2: {  	v18 =	vunpack.i.l.bf16.f32 v18;
	v24 =	vunpack.i.l.bf16.f32 v24;
	v15 =	vmul.bf16 v20, v15;
	v23 =	vld [tilespmem:s29+$0x9E80]  }
0xc3: {  	v22 =	vunpack.i.l.bf16.f32 v22;
	v0 =	vadd.f32 v40, v0;
	v10 =	vadd.f32 v18, v10;
	v20 =	vld [tilespmem:s29+$0x9F00]  }
0xc4: {  	v25 =	vunpack.i.u.bf16.f32 v25;
	v5 =	vadd.f32 v22, v5;
	v22 =	vunpack.i.l.bf16.f32 v15;
	v18 =	vld [tilespmem:s29+$0x9F40]  }
0xc5: {  	v2 =	vadd.f32 v25, v2;
	v19 =	vunpack.i.l.bf16.f32 v19;
	v0 =	vadd.f32 v22, v0;
	v33 =	vld [tilespmem:s29+$0xEED0]  }
0xc6: {  	v14 =	vadd.f32 v24, v14;
	v15 =	vunpack.i.u.bf16.f32 v15;
	v5 =	vadd.f32 v19, v5;
	v22 =	vld [tilespmem:s29+$0xEEA0]  }
0xc7: {  	v9 =	vadd.f32 v27, v9;
	v2 =	vadd.f32 v15, v2;
	v25 =	vmul.bf16 v30, v23;
	v19 =	vld [tilespmem:s29+$0xEF20]  }
0xc8: {  	v13 =	vadd.f32 v35, v13;
	v14 =	vadd.f32 v17, v14;
	v15 =	vld [tilespmem:s29+$0xEF30]  }
0xc9: {  	v9 =	vadd.f32 v16, v9;
	v21 =	vadd.f32 v41, v21;
	v17 =	vld [tilespmem:s29+$0x9EA0]  }
0xca: {  	v16 =	vld [tilespmem:s29+$0x9ED0]  }
0xcb: {  	v23 =	vld [tilespmem:s29+$0xEEC0]  }
0xcc: {  	v24 =	vmov s28;
	v27 =	vld [tilespmem:s29+$0x9EC0]  }
0xcd: {  	v24 =	vand.u32 $0xFFFFFFFE, v24;
	v35 =	vld [tilespmem:s29+$0xEEE0]  }
0xce: {  	v24 =	vbroadcast v24, $0x0;
	v38 =	vld.idx.msk [tilespmem:v38+s11+$0x0], $0xffff  }
0xcf: {  	v39 =	vld [tilespmem:s29+$0x9EE0]  }
0xd0: {  	v30 =	vld [tilespmem:s29+$0xEF50]  }
0xd1: {  	v41 =	vmul.bf16 v15, v31;
	v40 =	vld [tilespmem:s29+$0xEF10]  }
0xd2: {  	v18 =	vmul.bf16 v37, v18;
	v31 =	vld [tilespmem:s29+$0x9F50]  }
0xd3: {  	v37 =	vld [tilespmem:s29+$0xEF00]  }
0xd4: {  	v39 =	vmul.bf16 v35, v39;
	v35 =	vld [tilespmem:s29+$0x9F60]  }
0xd5: {  	v15 =	vpack.i.f32.bf16 v38, v38;
	v43 =	vld.idx.msk [tilespmem:v24+s11+$0x0], $0xffff;
	v24 =	vmul.bf16 v23, v27  }
0xd6: {  	v23 =	vmul.bf16 v40, v34;
	v27 =	vld [tilespmem:s29+$0x9F20]  }
0xd7: {  	v17 =	vmul.bf16 v22, v17;
	v22 =	vmul.bf16 v18, v15;
	v34 =	vld [tilespmem:s29+$0x9E90]  }
0xd8: {  	v16 =	vmul.bf16 v33, v16;
	v18 =	vmul.bf16 v41, v15  }
0xd9: {  	v36 =	vmul.bf16 v36, v32;
	v20 =	vmul.bf16 v37, v20;
	v37 =	vld [tilespmem:s29+$0xEF70]  }
0xda: {  	v29 =	vmul.bf16 v26, v29;
	v23 =	vmul.bf16 v23, v15;
	v38 =	vld [tilespmem:s29+$0x9F70]  }
.Ltmp1:
0xdb: {  	v32 =	vpack.i.f32.bf16 v43, v43;
	v26 =	vmul.bf16 v19, v27;
	v19 =	vmul.bf16 v28, v35;
	(pc) =	sbr.rel @p0 .LBB2_5-.Ltmp1, $4  }
0xdc: {  	v28 =	vmul.bf16 v16, v32;
	v16 =	vunpack.i.u.bf16.f32 v22;
	v34 =	vmul.bf16 v42, v34  }
0xdd: {  	v35 =	vmul.bf16 v17, v32;
	v17 =	vunpack.i.l.bf16.f32 v22;
	v19 =	vmul.bf16 v19, v15  }
0xde: {  	v27 =	vmul.bf16 v29, v32;
	v22 =	vmul.bf16 v39, v32;
	v33 =	vunpack.i.u.bf16.f32 v28  }
0xdf: {  	s28 =	sadd.s32 $0x2, s28;
	v36 =	vmul.bf16 v36, v32;
	v29 =	vunpack.i.l.bf16.f32 v35;
	v37 =	vmul.bf16 v37, v38  }
0xe0: {  	v34 =	vmul.bf16 v34, v32;
	v25 =	vmul.bf16 v25, v32;
	v35 =	vunpack.i.u.bf16.f32 v35  }
0xe1: {  	v26 =	vmul.bf16 v26, v15;
	v29 =	vadd.f32 v29, v13;
	v53 =	vunpack.i.u.bf16.f32 v22  }
0xe2: {  	v30 =	vmul.bf16 v30, v31;
	v24 =	vmul.bf16 v24, v32;
	v1 =	vadd.f32 v33, v1  }
0xe3: {  	v57 =	vunpack.i.l.bf16.f32 v27;
	v59 =	vunpack.i.l.bf16.f32 v22;
	v63 =	vunpack.i.u.bf16.f32 v19  }
0xe4: {  	v38 =	vunpack.i.u.bf16.f32 v36;
	v37 =	vmul.bf16 v37, v15;
	v7 =	vadd.f32 v35, v7  }
0xe5: {  	v51 =	vunpack.i.l.bf16.f32 v36;
	v21 =	vadd.f32 v53, v21;
	v10 =	vadd.f32 v57, v10  }
0xe6: {  	v5 =	vadd.f32 v59, v5;
	v39 =	vunpack.i.l.bf16.f32 v34;
	v40 =	vunpack.i.l.bf16.f32 v25  }
0xe7: {  	v13 =	vadd.f32 v51, v12;
	v12 =	vunpack.i.l.bf16.f32 v23;
	v52 =	vunpack.i.u.bf16.f32 v26  }
0xe8: {  	v11 =	vadd.f32 v38, v11;
	v30 =	vmul.bf16 v30, v15;
	v4 =	vadd.f32 v39, v4  }
0xe9: {  	v55 =	vunpack.i.u.bf16.f32 v34;
	v58 =	vunpack.i.u.bf16.f32 v24;
	v24 =	vunpack.i.l.bf16.f32 v24  }
0xea: {  	v15 =	vmul.bf16 v20, v15;
	v12 =	vadd.f32 v12, v4;
	v4 =	vunpack.i.u.bf16.f32 v27  }
0xeb: {  	v7 =	vadd.f32 v52, v7;
	v54 =	vunpack.i.u.bf16.f32 v37;
	v4 =	vadd.f32 v4, v6  }
0xec: {  	v8 =	vadd.f32 v55, v8;
	v0 =	vadd.f32 v40, v0;
	v6 =	vunpack.i.u.bf16.f32 v18  }
0xed: {  	v14 =	vadd.f32 v24, v14;
	v6 =	vadd.f32 v6, v4;
	v4 =	vunpack.i.l.bf16.f32 v37  }
0xee: {  	v62 =	vadd.f32 v58, v9;
	v4 =	vadd.f32 v4, v13;
	v13 =	vunpack.i.l.bf16.f32 v28  }
0xef: {  	v11 =	vadd.f32 v54, v11;
	v3 =	vadd.f32 v13, v3;
	v13 =	vunpack.i.u.bf16.f32 v23  }
0xf0: {  	s25 =	sadd.s32 $0x1, s25;
	v56 =	vunpack.i.u.bf16.f32 v30;
	v13 =	vadd.f32 v13, v8;
	v8 =	vunpack.i.l.bf16.f32 v30  }
0xf1: {  	p0 =	sne.s32 s25, $0x3E;
	v60 =	vunpack.i.l.bf16.f32 v15;
	v8 =	vadd.f32 v8, v3;
	v3 =	vunpack.i.l.bf16.f32 v18  }
.Ltmp2:
0xf2: {  	v1 =	vadd.f32 v56, v1;
	v3 =	vadd.f32 v3, v10;
	v10 =	vunpack.i.u.bf16.f32 v25;
	(pc) =	sbr.rel @p0 .LBB2_2-.Ltmp2, $4  }
0xf3: {  	v15 =	vunpack.i.u.bf16.f32 v15;
	v9 =	vadd.f32 v17, v14;
	v2 =	vadd.f32 v10, v2  }
0xf4: {  	v14 =	vadd.f32 v63, v21;
	v10 =	vadd.f32 v60, v0;
	v0 =	vunpack.i.l.bf16.f32 v19  }
0xf5: {  	v61 =	vunpack.i.l.bf16.f32 v26;
	v0 =	vadd.f32 v0, v5;
	v5 =	vadd.f32 v15, v2  }
0xf6: {  	s24 =	sadd.s32 $0xA0, s24;
	s23 =	sadd.s32 $0xA0, s23;
	v15 =	vadd.f32 v61, v29;
	v2 =	vadd.f32 v16, v62  }
0xf7: {  	_ =	swait.ge [sflag:s14], $0x2800  }
0xf8: {  	[sflag:s14] =	ssyncset.done $0x0  }
0xf9: {  	[sflag:s14] =	ssyncadd.s32 $0xFFFFD800  }
0xfa: {  	_ =	swait.ge [sflag:s14], $0x2800  }
0xfb: {  	[sflag:s14] =	ssyncset.done $0x0  }
0xfc: {  	s23 =	simm.s32 $0x7700;
	[sflag:s14] =	ssyncadd.s32 $0xFFFFD800  }
0xfd: {  	v20 =	vld [tilespmem:s23+$0xFFFFFFB0]  }
0xfe: {  	s24 =	simm.s32 $0xC700;
	v18 =	vld [tilespmem:s23+$0xFFFFFF80]  }
0xff: {  	v19 =	vld [tilespmem:s24+$0xFFFFFF80]  }
0x100: {  	v17 =	vld [tilespmem:s23+$0xFFFFFFA0]  }
0x101: {  	v21 =	vld [tilespmem:s24+$0xFFFFFFA0]  }
0x102: {  	v22 =	vld [tilespmem:s24+$0xFFFFFFB0]  }
0x103: {  	v24 =	vld [tilespmem:s24+$0xFFFFFFF0]  }
0x104: {  	v25 =	vld [tilespmem:s23+$0xFFFFFFF0]  }
0x105: {  	v23 =	vld [tilespmem:s23+$0x70]  }
0x106: {  	v26 =	vld [tilespmem:s24+$0x30]  }
0x107: {  	v27 =	vld [tilespmem:s24+$0x70]  }
0x108: {  	v28 =	vld [tilespmem:s23+$0x30]  }
0x109: {  	v29 =	vld [tilespmem:s24+$0x60]  }
0x10a: {  	v30 =	vld [tilespmem:s23+$0x0]  }
0x10b: {  	v31 =	vld [tilespmem:s24+$0x0]  }
0x10c: {  	v32 =	vld [tilespmem:s23+$0x50]  }
0x10d: {  	v33 =	vld [tilespmem:s24+$0x50]  }
0x10e: {  	s25 =	simm.s32 $0x26C1;
	v34 =	vld [tilespmem:s23+$0x60]  }
0x10f: {  	v35 =	vmov s25;
	v36 =	vld [tilespmem:s23+$0x40]  }
0x110: {  	v37 =	vld [tilespmem:s24+$0x40]  }
0x111: {  	v38 =	vld [tilespmem:s23+$0x10]  }
0x112: {  	v39 =	vld [tilespmem:s24+$0x10]  }
0x113: {  	v40 =	vld [tilespmem:s24+$0x20]  }
0x114: {  	v35 =	vld.idx.msk [tilespmem:v35+s11+$0x0], $0xffff  }
0x115: {  	s31 =	simm.s32 $0x26C0;
	v42 =	vld [tilespmem:s24+$0xFFFFFFD0];
	v23 =	vmul.bf16 v27, v23  }
0x116: {  	v61 =	vld [tilespmem:s23+$0xFFFFFFD0];
	v41 =	vmul.bf16 v26, v28;
	v26 =	vmov s31;
	v31 =	vmul.bf16 v31, v30  }
0x117: {  	v28 =	vld [tilespmem:s23+$0x20];
	v17 =	vmul.bf16 v21, v17;
	v33 =	vmul.bf16 v33, v32;
	v21 =	vand.u32 $0xFFFFFFFE, v26  }
0x118: {  	v16 =	vld [tilespmem:s24+$0xFFFFFFC0];
	v30 =	vmul.bf16 v37, v36;
	v21 =	vbroadcast v21, $0x0  }
0x119: {  	v18 =	vmul.bf16 v19, v18;
	v19 =	vmul.bf16 v24, v25;
	v25 =	vld [tilespmem:s24+$0xFFFFFF90]  }
0x11a: {  	v32 =	vmul.bf16 v29, v34;
	v27 =	vld [tilespmem:s23+$0xFFFFFF90];
	v62 =	vmul.bf16 v39, v38  }
0x11b: {  	v24 =	vmul.bf16 v22, v20;
	v34 =	vpack.i.f32.bf16 v35, v35;
	v29 =	vld [tilespmem:s23+$0xFFFFFFE0];
	v20 =	vmul.bf16 v42, v61  }
0x11c: {  	v26 =	vld [tilespmem:s24+$0xFFFFFFE0];
	v35 =	vmul.bf16 v33, v34;
	v63 =	vmul.bf16 v40, v28  }
0x11d: {  	v33 =	vld [tilespmem:s23+$0xFFFFFFC0];
	v31 =	vmul.bf16 v31, v34;
	v36 =	vmul.bf16 v41, v34  }
0x11e: {  	s25 =	simm.s32 $0xC800;
	s24 =	simm.s32 $0x26C2;
	v28 =	vmul.bf16 v62, v34;
	v37 =	vmul.bf16 v63, v34;
	v22 =	vld.idx.msk [tilespmem:v21+s11+$0x0], $0xffff  }
.LBB2_8:
0x11f: {  	p0 =	sne.s32 s24, $0x270E  }
0x120: {  	v38 =	vld [tilespmem:s25+$0xFFFFFFC0];
	v39 =	vunpack.i.u.bf16.f32 v31;
	v30 =	vmul.bf16 v30, v34;
	v23 =	vmul.bf16 v23, v34;
	s23 =	sadd.s32 $0x100, s23;
	s26 =	smov.u32 s24;
	s24 =	sadd.s32 $0x2, s24  }
0x121: {  	v41 =	vunpack.i.u.bf16.f32 v35;
	v32 =	vmul.bf16 v32, v34;
	v21 =	vld [tilespmem:s23+$0xFFFFFFB0];
	v40 =	vunpack.i.u.bf16.f32 v36  }
0x122: {  	v42 =	vunpack.i.l.bf16.f32 v28;
	v35 =	vunpack.i.l.bf16.f32 v35;
	v34 =	vld [tilespmem:s23+$0xFFFFFF80];
	v43 =	vunpack.i.u.bf16.f32 v30  }
0x123: {  	v45 =	vunpack.i.u.bf16.f32 v37;
	v37 =	vunpack.i.l.bf16.f32 v37;
	v30 =	vunpack.i.l.bf16.f32 v30;
	v44 =	vld [tilespmem:s25+$0xFFFFFF80]  }
0x124: {  	v25 =	vmul.bf16 v25, v27;
	v27 =	vmul.bf16 v16, v33;
	v33 =	vunpack.i.l.bf16.f32 v36;
	v46 =	vld [tilespmem:s23+$0xFFFFFFA0]  }
0x125: {  	v28 =	vunpack.i.u.bf16.f32 v28;
	v26 =	vmul.bf16 v26, v29;
	v47 =	vpack.i.f32.bf16 v22, v22;
	v36 =	vld [tilespmem:s25+$0xFFFFFFA0];
	v16 =	vmovc v38  }
0x126: {  	v22 =	vunpack.i.l.bf16.f32 v31;
	v31 =	vunpack.i.l.bf16.f32 v23;
	v27 =	vmul.bf16 v27, v47;
	v29 =	vld [tilespmem:s25+$0xFFFFFFB0]  }
0x127: {  	v48 =	vunpack.i.u.bf16.f32 v23;
	v25 =	vmul.bf16 v25, v47;
	v24 =	vmul.bf16 v24, v47;
	v38 =	vld [tilespmem:s25+$0xFFFFFFF0]  }
0x128: {  	s28 =	sadd.s32 $0x1, s26;
	v50 =	vunpack.i.l.bf16.f32 v32;
	v23 =	vunpack.i.u.bf16.f32 v27;
	v27 =	vunpack.i.l.bf16.f32 v27;
	v49 =	vld [tilespmem:s23+$0xFFFFFFF0]  }
0x129: {  	v51 =	vmov s28;
	v19 =	vmul.bf16 v19, v47;
	v53 =	vunpack.i.u.bf16.f32 v25;
	v52 =	vld [tilespmem:s23+$0x70]  }
0x12a: {  	v25 =	vunpack.i.l.bf16.f32 v25;
	v13 =	vadd.f32 v53, v13;
	v53 =	vunpack.i.u.bf16.f32 v24;
	v54 =	vld [tilespmem:s25+$0x30]  }
0x12b: {  	v17 =	vmul.bf16 v17, v47;
	v56 =	vunpack.i.l.bf16.f32 v19;
	v24 =	vunpack.i.l.bf16.f32 v24;
	v55 =	vld [tilespmem:s25+$0x70]  }
0x12c: {  	v20 =	vmul.bf16 v20, v47;
	v19 =	vunpack.i.u.bf16.f32 v19;
	v9 =	vadd.f32 v27, v9;
	v57 =	vld [tilespmem:s23+$0x30]  }
0x12d: {  	v58 =	vunpack.i.l.bf16.f32 v17;
	v2 =	vadd.f32 v23, v2;
	v3 =	vadd.f32 v24, v3;
	v27 =	vld [tilespmem:s25+$0x60]  }
0x12e: {  	v18 =	vmul.bf16 v18, v47;
	v23 =	vmov s26;
	v11 =	vadd.f32 v19, v11;
	v24 =	vld [tilespmem:s23+$0x0]  }
0x12f: {  	v19 =	vand.u32 $0xFFFFFFFE, v23;
	v23 =	vunpack.i.l.bf16.f32 v20;
	v3 =	vadd.f32 v33, v3;
	v59 =	vld [tilespmem:s25+$0x0]  }
0x130: {  	v6 =	vadd.f32 v53, v6;
	v60 =	vbroadcast v19, $0x0;
	v8 =	vadd.f32 v23, v8;
	v19 =	vld [tilespmem:s23+$0x50]  }
0x131: {  	v17 =	vunpack.i.u.bf16.f32 v17;
	v53 =	vunpack.i.u.bf16.f32 v18;
	v2 =	vadd.f32 v43, v2;
	v33 =	vld [tilespmem:s25+$0x50]  }
0x132: {  	v61 =	vunpack.i.l.bf16.f32 v18;
	v7 =	vadd.f32 v17, v7;
	v9 =	vadd.f32 v30, v9;
	v43 =	vld [tilespmem:s23+$0x60]  }
0x133: {  	v12 =	vadd.f32 v25, v12;
	v5 =	vadd.f32 v53, v5;
	v23 =	vmul.bf16 v55, v52;
	v18 =	vld [tilespmem:s23+$0x40]  }
0x134: {  	v26 =	vmul.bf16 v26, v47;
	v7 =	vadd.f32 v45, v7;
	v52 =	vmul.bf16 v54, v57;
	v25 =	vld [tilespmem:s25+$0x40]  }
0x135: {  	v15 =	vadd.f32 v58, v15;
	v5 =	vadd.f32 v39, v5;
	v39 =	vunpack.i.u.bf16.f32 v32;
	v45 =	vld [tilespmem:s23+$0x10]  }
0x136: {  	v17 =	vunpack.i.u.bf16.f32 v20;
	v12 =	vadd.f32 v42, v12;
	v6 =	vadd.f32 v40, v6;
	v47 =	vld [tilespmem:s25+$0x10]  }
0x137: {  	v1 =	vadd.f32 v17, v1;
	v13 =	vadd.f32 v28, v13;
	v40 =	vmul.bf16 v59, v24;
	v20 =	vld [tilespmem:s25+$0x20]  }
0x138: {  	v17 =	vmul.bf16 v36, v46;
	v36 =	vunpack.i.u.bf16.f32 v26;
	v33 =	vmul.bf16 v33, v19;
	v28 =	vld.idx.msk [tilespmem:v51+s11+$0x0], $0xffff  }
0x139: {  	v4 =	vadd.f32 v56, v4;
	v1 =	vadd.f32 v41, v1;
	v42 =	vld [tilespmem:s23+$0x20];
	v30 =	vmul.bf16 v25, v18  }
0x13a: {  	v8 =	vadd.f32 v35, v8;
	v24 =	vunpack.i.l.bf16.f32 v26;
	v18 =	vmul.bf16 v44, v34;
	v41 =	vld [tilespmem:s25+$0xFFFFFFD0]  }
0x13b: {  	v0 =	vadd.f32 v24, v0;
	v19 =	vmul.bf16 v38, v49;
	v32 =	vmul.bf16 v27, v43;
	v44 =	vld [tilespmem:s23+$0xFFFFFFD0]  }
0x13c: {  	v15 =	vadd.f32 v37, v15;
	v4 =	vadd.f32 v31, v4;
	v24 =	vmul.bf16 v29, v21;
	v25 =	vld [tilespmem:s25+$0xFFFFFF90]  }
.Ltmp3:
0x13d: {  	v10 =	vadd.f32 v61, v10;
	v14 =	vadd.f32 v36, v14;
	v21 =	vmul.bf16 v47, v45;
	v27 =	vld [tilespmem:s23+$0xFFFFFF90];
	(pc) =	sbr.rel @p0 .LBB2_8-.Ltmp3, $4  }
0x13e: {  	v0 =	vadd.f32 v50, v0;
	v34 =	vpack.i.f32.bf16 v28, v28;
	v26 =	vld [tilespmem:s25+$0xFFFFFFE0];
	v36 =	vmul.bf16 v20, v42  }
0x13f: {  	v11 =	vadd.f32 v48, v11;
	v28 =	vmul.bf16 v21, v34;
	v35 =	vmul.bf16 v33, v34;
	v29 =	vld [tilespmem:s23+$0xFFFFFFE0]  }
0x140: {  	v10 =	vadd.f32 v22, v10;
	v31 =	vmul.bf16 v40, v34;
	v33 =	vld [tilespmem:s23+$0xFFFFFFC0];
	v20 =	vmul.bf16 v41, v44  }
0x141: {  	v14 =	vadd.f32 v39, v14;
	s25 =	sadd.s32 $0x100, s25;
	v37 =	vmul.bf16 v36, v34;
	v36 =	vmul.bf16 v52, v34;
	v22 =	vld.idx.msk [tilespmem:v60+s11+$0x0], $0xffff  }
0x142: {  	v21 =	vunpack.i.u.bf16.f32 v31  }
0x143: {  	v30 =	vmul.bf16 v30, v34;
	v23 =	vmul.bf16 v23, v34;
	v39 =	vunpack.i.u.bf16.f32 v35  }
0x144: {  	v32 =	vmul.bf16 v32, v34;
	v56 =	vunpack.i.l.bf16.f32 v28;
	v35 =	vunpack.i.l.bf16.f32 v35  }
0x145: {  	v25 =	vmul.bf16 v25, v27;
	v59 =	vunpack.i.u.bf16.f32 v28;
	v60 =	vunpack.i.l.bf16.f32 v31  }
0x146: {  	v38 =	vunpack.i.u.bf16.f32 v36;
	v41 =	vunpack.i.u.bf16.f32 v37;
	v16 =	vmul.bf16 v16, v33  }
0x147: {  	v57 =	vunpack.i.l.bf16.f32 v37;
	v58 =	vunpack.i.l.bf16.f32 v36;
	v22 =	vpack.i.f32.bf16 v22, v22  }
0x148: {  	v40 =	vunpack.i.u.bf16.f32 v30;
	v26 =	vmul.bf16 v26, v29;
	v16 =	vmul.bf16 v16, v22  }
0x149: {  	v30 =	vunpack.i.l.bf16.f32 v30;
	v25 =	vmul.bf16 v25, v22;
	v18 =	vmul.bf16 v18, v22  }
0x14a: {  	v62 =	vunpack.i.l.bf16.f32 v32;
	v24 =	vmul.bf16 v24, v22;
	v17 =	vmul.bf16 v17, v22  }
0x14b: {  	v44 =	vmul.bf16 v19, v22;
	v49 =	vmul.bf16 v20, v22;
	v42 =	vunpack.i.l.bf16.f32 v18  }
0x14c: {  	v53 =	vmul.bf16 v26, v22;
	v18 =	vunpack.i.u.bf16.f32 v18;
	v10 =	vadd.f32 v42, v10  }
0x14d: {  	v63 =	vunpack.i.u.bf16.f32 v25;
	v25 =	vunpack.i.l.bf16.f32 v25;
	v5 =	vadd.f32 v18, v5  }
0x14e: {  	v61 =	vunpack.i.u.bf16.f32 v16;
	v12 =	vadd.f32 v25, v12;
	v10 =	vadd.f32 v60, v10  }
0x14f: {  	v45 =	vunpack.i.l.bf16.f32 v17;
	v13 =	vadd.f32 v63, v13;
	v5 =	vadd.f32 v21, v5  }
0x150: {  	v17 =	vunpack.i.u.bf16.f32 v17;
	v15 =	vadd.f32 v45, v15;
	v12 =	vadd.f32 v56, v12;
	[tilespmem:$0x11680] =	vst v10  }
0x151: {  	v46 =	vunpack.i.l.bf16.f32 v24;
	v7 =	vadd.f32 v17, v7;
	v13 =	vadd.f32 v59, v13;
	[tilespmem:$0x11690] =	vst v5  }
0x152: {  	v16 =	vunpack.i.l.bf16.f32 v16;
	v3 =	vadd.f32 v46, v3;
	v48 =	vadd.f32 v57, v15;
	[tilespmem:$0x116A0] =	vst v12  }
0x153: {  	v47 =	vunpack.i.u.bf16.f32 v24;
	v9 =	vadd.f32 v16, v9;
	v50 =	vadd.f32 v41, v7;
	[tilespmem:$0x116B0] =	vst v13  }
0x154: {  	v51 =	vunpack.i.l.bf16.f32 v44;
	v2 =	vadd.f32 v61, v2;
	v3 =	vadd.f32 v58, v3;
	[tilespmem:$0x116C0] =	vst v48  }
0x155: {  	v52 =	vunpack.i.l.bf16.f32 v49;
	v4 =	vadd.f32 v51, v4;
	v55 =	vadd.f32 v30, v9;
	[tilespmem:$0x116D0] =	vst v50  }
0x156: {  	v54 =	vadd.f32 v52, v8;
	v61 =	vunpack.i.l.bf16.f32 v23;
	v2 =	vadd.f32 v40, v2;
	[tilespmem:$0x116E0] =	vst v3  }
0x157: {  	v56 =	vunpack.i.u.bf16.f32 v49;
	v4 =	vadd.f32 v61, v4;
	v5 =	vadd.f32 v47, v6;
	[tilespmem:$0x11700] =	vst v55  }
0x158: {  	v57 =	vunpack.i.l.bf16.f32 v53;
	v1 =	vadd.f32 v56, v1;
	v6 =	vadd.f32 v35, v54;
	[tilespmem:$0x11710] =	vst v2  }
0x159: {  	v59 =	vunpack.i.u.bf16.f32 v44;
	v0 =	vadd.f32 v57, v0;
	[tilespmem:$0x11760] =	vst v4;
	v5 =	vadd.f32 v38, v5  }
0x15a: {  	v58 =	vunpack.i.u.bf16.f32 v53;
	v3 =	vadd.f32 v59, v11;
	v1 =	vadd.f32 v39, v1;
	[tilespmem:$0x11720] =	vst v6  }
0x15b: {  	v0 =	vadd.f32 v62, v0;
	v62 =	vunpack.i.u.bf16.f32 v23;
	[tilespmem:$0x116F0] =	vst v5;
	v5 =	vadd.f32 v58, v14  }
0x15c: {  	v60 =	vunpack.i.u.bf16.f32 v32;
	v63 =	vadd.f32 v62, v3;
	[tilespmem:$0x11730] =	vst v1  }
0x15d: {  	s22 =	sadd.s32 $0x1, s22;
	[tilespmem:$0x11740] =	vst v0;
	v2 =	vadd.f32 v60, v5  }
0x15e: {  	p0 =	sne.s32 s22, s8;
	[tilespmem:$0x11770] =	vst v63  }
.Ltmp4:
0x15f: {  	[tilespmem:$0x11750] =	vst v2;
	(pc) =	sbr.rel @p0 .LBB2_1-.Ltmp4, $4  }
0x160: {  	[hbm4b:s7+s19] =	stream.strided.scatter [tilespmem:s21], [sflag:$0x3], $0x100, s20, s19, $0x38;
	[tilespmem:$0x11780] =	vst v63  }
0x161: {  	_ =	swait.ge [sflag:s9], $0x100  }
0x162: {  	[sflag:s9] =	ssyncset.done $0x0  }
0x163: {  	[sflag:s9] =	ssyncadd.s32 $0xFFFFFF00  }
0x164: {  	_ =	sfence.sel $0x180000  }
0x165: {  	[bflag:$0x0] =	sbarrier.arrive $0xFFFF  }
0x166: {  	p0 =	sne.s32 s0, $0x0;
	_ =	strace $0x90000047  }
0x167: {  	s0 =	sadd.s32 @!p0 $0x100000, s1;
	[bflag:$0x2] =	sbarrier.arrive $0xFFFF  }
0x168: {  	[sflag:s0] =	ssyncadd.tile.s32 @!p0 $0x1;
	_ =	shalt  }
.Lfunc_end2:
_tile_overlayer_lowered:
.L_overlay_start_2:
0x169: {  	(tag) =	ssettag $0x2  }
0x16a: {  	s0 =	rddreg [dreg:$0x0];
	s2 =	stileid.u32  }
0x16b: {  	s1 =	rddreg [dreg:$0x1];
	p0 =	sne.s32 s2, $0x0  }
0x16c: {  	s3 =	rddreg [dreg:$0x2];
	[bflag:$0x3] =	sbarrier.arrive $0xFFFF;
	s2 =	simm.s32 @!p0 $0x1C03  }
0x16d: {  	[timem:s3], [sflag:s2] =	dma.local @!p0 [hbm:s0], s1  }
0x16e: {  	s0 =	simm.s32 @!p0 $0x3  }
0x16f: {  	_ =	swait.ge @!p0 [sflag:s0], s1  }
0x170: {  	s1 =	ssub.s32 @!p0 $0x0, s1;
	[sflag:s0] =	ssyncset.done @!p0 $0x0  }
0x171: {  	[sflag:s0] =	ssyncadd.s32 @!p0 s1  }
0x172: {  	[bflag:$0x3] =	sbarrier.arrive $0xFFFF  }
0x173: {  	_ =	shalt  }

</sc_bundles>
